<compile_context>
chip_gen: v7x
topology: tpu7x:2x2x1
jax: 0.10.2.dev20260603
libtpu: 0.0.44.dev20260713+nightly
codegen_flags: <defaults>
</compile_context>

<pallas_src>
import functools

import jax
import jax.numpy as jnp
from jax import lax
from jax.experimental import pallas as pl
from jax.experimental.pallas import tpu as pltpu
from jax.experimental.pallas import tpu_sc as plsc

_L = 16


def _make_sc_kernel(b, h, w, f):
    ng = w // _L
    mesh = plsc.VectorSubcoreMesh(core_axis_name="c", subcore_axis_name="s")

    @functools.partial(
        pl.kernel,
        out_type=jax.ShapeDtypeStruct((b, 2 * f, h, w), jnp.float32),
        mesh=mesh,
        scratch_types=[
            pltpu.VMEM((w,), jnp.float32),
            pltpu.VMEM((h, w), jnp.float32),
            pltpu.SemaphoreType.DMA,
        ],
    )
    def sc_kernel(col_t_hbm, row_t_hbm, out_hbm, vals_v, plane_v, sem):
        wid = lax.axis_index("s") * 2 + lax.axis_index("c")
        is_col = wid < f
        ch = wid % f

        def _fire(src_gr, gh):
            for bi in range(b):
                pltpu.async_copy(
                    plane_v.at[pl.ds(_L * src_gr, _L)],
                    out_hbm.at[bi, wid, pl.ds(_L * gh, _L)],
                    sem,
                )

        def _wait_strips():
            for bi in range(b):
                pltpu.make_async_copy(
                    plane_v.at[pl.ds(0, _L)],
                    out_hbm.at[bi, wid, pl.ds(0, _L)],
                    sem,
                ).wait()

        @pl.when(is_col)
        def _():
            pltpu.sync_copy(col_t_hbm.at[ch], vals_v)

            def _strip_row(r, carry):
                for g in range(ng):
                    plane_v[r, pl.ds(_L * g, _L)] = vals_v[pl.ds(_L * g, _L)]
                return carry

            lax.fori_loop(0, _L, _strip_row, 0)
            _fire(0, 0)

            def _pump(gh, carry):
                _fire(0, gh)
                _wait_strips()
                return carry

            lax.fori_loop(1, h // _L, _pump, 0)
            _wait_strips()

        @pl.when(jnp.logical_not(is_col))
        def _():
            pltpu.sync_copy(row_t_hbm.at[ch], vals_v)

            def _build_strip(gr):
                vg = vals_v[pl.ds(_L * gr, _L)]
                vs = [jnp.full((_L,), vg[j], jnp.float32) for j in range(_L)]

                def _col_group(g, c2):
                    for j in range(_L):
                        plane_v[_L * gr + j, pl.ds(_L * g, _L)] = vs[j]
                    return c2

                lax.fori_loop(0, ng, _col_group, 0)

            _build_strip(0)
            _fire(0, 0)

            def _pump(gr, carry):
                _build_strip(gr)
                _fire(gr, gr)
                _wait_strips()
                return carry

            lax.fori_loop(1, h // _L, _pump, 0)
            _wait_strips()

    return sc_kernel


def kernel(input, col_w, row_w):
    b = input.shape[0]
    h, w = input.shape[-2], input.shape[-1]
    f = col_w.shape[-1]
    col_t = col_w.T
    row_t = row_w.T
    return _make_sc_kernel(b, h, w, f)(col_t, row_t)

# --- scband reference (transcript-rebuilt; emitter-appended) ---
"""Pipeline reference for scband-position-embedding-learned-21088289423663 (READ-ONLY COPY).

The authoritative reference and input builder live on the scoring server;
editing this copy changes nothing except your own understanding.
"""

import jax, jax.numpy as jnp
import numpy as np

H, W = 224, 224
NUM_POS_FEATS = 16
B, C = 4, 96

def setup_inputs(seed: int = 0) -> dict:
    key = jax.random.key(seed)
    k1, k2, k3 = jax.random.split(key, 3)
    inp = jax.random.normal(k1, (B, C, H, W), dtype=jnp.float32)
    # nn.init.uniform_ -> U[0,1)
    col_w = jax.random.uniform(k2, (W, NUM_POS_FEATS), dtype=jnp.float32)
    row_w = jax.random.uniform(k3, (H, NUM_POS_FEATS), dtype=jnp.float32)
    return {"input": inp, "col_w": col_w, "row_w": row_w}

def reference(input, col_w, row_w):
    h, w = input.shape[-2], input.shape[-1]
    i = jnp.arange(w)
    j = jnp.arange(h)
    x_emb = jnp.take(col_w, i, axis=0)            # [w, F]
    y_emb = jnp.take(row_w, j, axis=0)            # [h, F]
    x_rep = jnp.broadcast_to(x_emb[None, :, :], (h, w, NUM_POS_FEATS))
    y_rep = jnp.broadcast_to(y_emb[:, None, :], (h, w, NUM_POS_FEATS))
    pos = jnp.concatenate([x_rep, y_rep], axis=-1)  # [h, w, 2F]
    pos = jnp.transpose(pos, (2, 0, 1))             # [2F, h, w]
    pos = jnp.broadcast_to(pos[None, :, :, :], (input.shape[0], 2 * NUM_POS_FEATS, h, w))
    return pos

if __name__ == "__main__":
    import jax
    _d = setup_inputs()
    print(jax.jit(kernel)(*tuple(_d.values())))

</pallas_src>

<mosaic_0001>
#map = affine_map<(d0, d1) -> (0, 0)>
#map1 = affine_map<(d0, d1) -> (0, 0, 0, 0)>
module attributes {stable_mosaic.version = 14 : i64} {
  func.func @sc_kernel(%arg0: i32, %arg1: i32, %arg2: memref<16x224xf32, #tpu.memory_space<hbm>>, %arg3: memref<16x224xf32, #tpu.memory_space<hbm>>, %arg4: memref<4x32x224x224xf32, #tpu.memory_space<hbm>>, %arg5: memref<224xf32, #tpu.memory_space<vmem>>, %arg6: memref<224x224xf32, #tpu.memory_space<vmem>>, %arg7: memref<!tpu.dma_semaphore, #tpu.memory_space<semaphore_mem>>) attributes {dimension_semantics = [#tpu.dimension_semantics<core_parallel>, #tpu.dimension_semantics<subcore_parallel>], iteration_bounds = array<i64: 2, 16>, scalar_prefetch = 0 : i64, scratch_operands = 3 : i64, tpu.core_type = #tpu.core_type<sc_vector_subcore>, window_params = [{transform_indices = #map}, {transform_indices = #map}, {transform_indices = #map1}]} {
    %mul3A = arith.constant 2 : i32
    %mul3A_0 = arith.muli %arg1, %mul3A : i32
    %add3A = arith.addi %mul3A_0, %arg0 : i32
    %lt3A = arith.constant 16 : i32
    %lt3A_1 = arith.cmpi slt, %add3A, %lt3A : i32
    %jit3A = arith.constant 16 : i32
    %eq3A = arith.constant 0 : i32
    %eq3A_2 = arith.cmpi eq, %jit3A, %eq3A : i32
    %jit3A_3 = arith.constant 1 : i32
    %select_n3A = arith.select %eq3A_2, %jit3A_3, %jit3A : i32
    %rem3A = arith.remsi %add3A, %select_n3A : i32
    %ne3A = arith.constant 0 : i32
    %ne3A_4 = arith.cmpi ne, %rem3A, %ne3A : i32
    %lt3A_5 = arith.constant 0 : i32
    %lt3A_6 = arith.cmpi slt, %rem3A, %lt3A_5 : i32
    %lt3A_7 = arith.constant 0 : i32
    %lt3A_8 = arith.cmpi slt, %select_n3A, %lt3A_7 : i32
    %ne3A_9 = arith.xori %lt3A_6, %lt3A_8 : i1
    %and3A = arith.andi %ne3A_9, %ne3A_4 : i1
    %add3A_10 = arith.addi %rem3A, %select_n3A : i32
    %select_n3A_11 = arith.select %and3A, %add3A_10, %rem3A : i32
    %convert_element_type3A = arith.extui %lt3A_1 : i1 to i32
    %cond3A = arith.constant 0 : i32
    %cond3A_12 = arith.cmpi ne, %convert_element_type3A, %cond3A : i32
    scf.if %cond3A_12 {
      "tpu.region"() ({
        %run_scoped3A = tpu.sem_alloc : memref<!tpu.dma_semaphore, #tpu.memory_space<semaphore_mem>>
        %dma_start3A_146 = arith.constant 0 : i32
        %dma_start3A_147 = tpu.memref_slice %arg2[%select_n3A_11, %dma_start3A_146] : memref<16x224xf32, #tpu.memory_space<hbm>> -> memref<1x224xf32, #tpu.memory_space<hbm>>
        %dma_start3A_148 = tpu.memref_squeeze %dma_start3A_147 : memref<1x224xf32, #tpu.memory_space<hbm>> -> memref<224xf32, #tpu.memory_space<hbm>>
        %dma_start3A_149 = arith.constant 0 : i32
        %dma_start3A_150 = tpu.memref_slice %arg2[%select_n3A_11, %dma_start3A_149] : memref<16x224xf32, #tpu.memory_space<hbm>> -> memref<1x224xf32, #tpu.memory_space<hbm>>
        %dma_start3A_151 = tpu.memref_squeeze %dma_start3A_150 : memref<1x224xf32, #tpu.memory_space<hbm>> -> memref<224xf32, #tpu.memory_space<hbm>>
        tpu.enqueue_dma source(%dma_start3A_151 : memref<224xf32, #tpu.memory_space<hbm>>) target(%arg5 : memref<224xf32, #tpu.memory_space<vmem>>) target_semaphore(%run_scoped3A : memref<!tpu.dma_semaphore, #tpu.memory_space<semaphore_mem>>)
        %dma_wait3A_152 = arith.constant 0 : i32
        %dma_wait3A_153 = tpu.memref_slice %arg2[%select_n3A_11, %dma_wait3A_152] : memref<16x224xf32, #tpu.memory_space<hbm>> -> memref<1x224xf32, #tpu.memory_space<hbm>>
        %dma_wait3A_154 = tpu.memref_squeeze %dma_wait3A_153 : memref<1x224xf32, #tpu.memory_space<hbm>> -> memref<224xf32, #tpu.memory_space<hbm>>
        %dma_wait3A_155 = arith.constant 0 : i32
        %dma_wait3A_156 = tpu.memref_slice %arg2[%select_n3A_11, %dma_wait3A_155] : memref<16x224xf32, #tpu.memory_space<hbm>> -> memref<1x224xf32, #tpu.memory_space<hbm>>
        %dma_wait3A_157 = tpu.memref_squeeze %dma_wait3A_156 : memref<1x224xf32, #tpu.memory_space<hbm>> -> memref<224xf32, #tpu.memory_space<hbm>>
        tpu.wait_dma2 semaphore(%run_scoped3A : memref<!tpu.dma_semaphore, #tpu.memory_space<semaphore_mem>>) src(%dma_wait3A_157 : memref<224xf32, #tpu.memory_space<hbm>>) dst(%arg5 : memref<224xf32, #tpu.memory_space<vmem>>)
        tpu.yield
      }) : () -> ()
      %scan3A = arith.constant 0 : i32
      %scan3A_17 = arith.constant 0 : i32
      %scan3A_18 = arith.constant 16 : i32
      %scan3A_19 = arith.addi %scan3A_17, %scan3A_18 : i32
      %scan3A_20 = arith.constant 1 : i32
      scf.for %scan3A_146 = %scan3A_17 to %scan3A_19 step %scan3A_20  : i32 {
        %get3A = arith.constant 0 : index
        %get3A_147 = tpu.vector_load %arg5[%get3A] {strides = array<i32>} : memref<224xf32, #tpu.memory_space<vmem>>, vector<16xf32>,
        %get3A_148 = vector.shape_cast %get3A_147 : vector<16xf32> to vector<16xf32>
        %swap3A = arith.index_cast %scan3A_146 : i32 to index
        %swap3A_149 = arith.constant 0 : index
        %swap3A_150 = tpu.vector_load %arg6[%swap3A, %swap3A_149] {strides = array<i32>} : memref<224x224xf32, #tpu.memory_space<vmem>>, vector<1x16xf32>,
        %swap3A_151 = vector.shape_cast %swap3A_150 : vector<1x16xf32> to vector<16xf32>
        %swap3A_152 = vector.shape_cast %get3A_148 : vector<16xf32> to vector<1x16xf32>
        tpu.vector_store %arg6[%swap3A, %swap3A_149], %swap3A_152 {strides = array<i32>} : memref<224x224xf32, #tpu.memory_space<vmem>>, vector<1x16xf32>,
        %get3A_153 = arith.constant 16 : index
        %get3A_154 = tpu.vector_load %arg5[%get3A_153] {strides = array<i32>} : memref<224xf32, #tpu.memory_space<vmem>>, vector<16xf32>,
        %get3A_155 = vector.shape_cast %get3A_154 : vector<16xf32> to vector<16xf32>
        %swap3A_156 = arith.index_cast %scan3A_146 : i32 to index
        %swap3A_157 = arith.constant 16 : index
        %swap3A_158 = tpu.vector_load %arg6[%swap3A_156, %swap3A_157] {strides = array<i32>} : memref<224x224xf32, #tpu.memory_space<vmem>>, vector<1x16xf32>,
        %swap3A_159 = vector.shape_cast %swap3A_158 : vector<1x16xf32> to vector<16xf32>
        %swap3A_160 = vector.shape_cast %get3A_155 : vector<16xf32> to vector<1x16xf32>
        tpu.vector_store %arg6[%swap3A_156, %swap3A_157], %swap3A_160 {strides = array<i32>} : memref<224x224xf32, #tpu.memory_space<vmem>>, vector<1x16xf32>,
        %get3A_161 = arith.constant 32 : index
        %get3A_162 = tpu.vector_load %arg5[%get3A_161] {strides = array<i32>} : memref<224xf32, #tpu.memory_space<vmem>>, vector<16xf32>,
        %get3A_163 = vector.shape_cast %get3A_162 : vector<16xf32> to vector<16xf32>
        %swap3A_164 = arith.index_cast %scan3A_146 : i32 to index
        %swap3A_165 = arith.constant 32 : index
        %swap3A_166 = tpu.vector_load %arg6[%swap3A_164, %swap3A_165] {strides = array<i32>} : memref<224x224xf32, #tpu.memory_space<vmem>>, vector<1x16xf32>,
        %swap3A_167 = vector.shape_cast %swap3A_166 : vector<1x16xf32> to vector<16xf32>
        %swap3A_168 = vector.shape_cast %get3A_163 : vector<16xf32> to vector<1x16xf32>
        tpu.vector_store %arg6[%swap3A_164, %swap3A_165], %swap3A_168 {strides = array<i32>} : memref<224x224xf32, #tpu.memory_space<vmem>>, vector<1x16xf32>,
        %get3A_169 = arith.constant 48 : index
        %get3A_170 = tpu.vector_load %arg5[%get3A_169] {strides = array<i32>} : memref<224xf32, #tpu.memory_space<vmem>>, vector<16xf32>,
        %get3A_171 = vector.shape_cast %get3A_170 : vector<16xf32> to vector<16xf32>
        %swap3A_172 = arith.index_cast %scan3A_146 : i32 to index
        %swap3A_173 = arith.constant 48 : index
        %swap3A_174 = tpu.vector_load %arg6[%swap3A_172, %swap3A_173] {strides = array<i32>} : memref<224x224xf32, #tpu.memory_space<vmem>>, vector<1x16xf32>,
        %swap3A_175 = vector.shape_cast %swap3A_174 : vector<1x16xf32> to vector<16xf32>
        %swap3A_176 = vector.shape_cast %get3A_171 : vector<16xf32> to vector<1x16xf32>
        tpu.vector_store %arg6[%swap3A_172, %swap3A_173], %swap3A_176 {strides = array<i32>} : memref<224x224xf32, #tpu.memory_space<vmem>>, vector<1x16xf32>,
        %get3A_177 = arith.constant 64 : index
        %get3A_178 = tpu.vector_load %arg5[%get3A_177] {strides = array<i32>} : memref<224xf32, #tpu.memory_space<vmem>>, vector<16xf32>,
        %get3A_179 = vector.shape_cast %get3A_178 : vector<16xf32> to vector<16xf32>
        %swap3A_180 = arith.index_cast %scan3A_146 : i32 to index
        %swap3A_181 = arith.constant 64 : index
        %swap3A_182 = tpu.vector_load %arg6[%swap3A_180, %swap3A_181] {strides = array<i32>} : memref<224x224xf32, #tpu.memory_space<vmem>>, vector<1x16xf32>,
        %swap3A_183 = vector.shape_cast %swap3A_182 : vector<1x16xf32> to vector<16xf32>
        %swap3A_184 = vector.shape_cast %get3A_179 : vector<16xf32> to vector<1x16xf32>
        tpu.vector_store %arg6[%swap3A_180, %swap3A_181], %swap3A_184 {strides = array<i32>} : memref<224x224xf32, #tpu.memory_space<vmem>>, vector<1x16xf32>,
        %get3A_185 = arith.constant 80 : index
        %get3A_186 = tpu.vector_load %arg5[%get3A_185] {strides = array<i32>} : memref<224xf32, #tpu.memory_space<vmem>>, vector<16xf32>,
        %get3A_187 = vector.shape_cast %get3A_186 : vector<16xf32> to vector<16xf32>
        %swap3A_188 = arith.index_cast %scan3A_146 : i32 to index
        %swap3A_189 = arith.constant 80 : index
        %swap3A_190 = tpu.vector_load %arg6[%swap3A_188, %swap3A_189] {strides = array<i32>} : memref<224x224xf32, #tpu.memory_space<vmem>>, vector<1x16xf32>,
        %swap3A_191 = vector.shape_cast %swap3A_190 : vector<1x16xf32> to vector<16xf32>
        %swap3A_192 = vector.shape_cast %get3A_187 : vector<16xf32> to vector<1x16xf32>
        tpu.vector_store %arg6[%swap3A_188, %swap3A_189], %swap3A_192 {strides = array<i32>} : memref<224x224xf32, #tpu.memory_space<vmem>>, vector<1x16xf32>,
        %get3A_193 = arith.constant 96 : index
        %get3A_194 = tpu.vector_load %arg5[%get3A_193] {strides = array<i32>} : memref<224xf32, #tpu.memory_space<vmem>>, vector<16xf32>,
        %get3A_195 = vector.shape_cast %get3A_194 : vector<16xf32> to vector<16xf32>
        %swap3A_196 = arith.index_cast %scan3A_146 : i32 to index
        %swap3A_197 = arith.constant 96 : index
        %swap3A_198 = tpu.vector_load %arg6[%swap3A_196, %swap3A_197] {strides = array<i32>} : memref<224x224xf32, #tpu.memory_space<vmem>>, vector<1x16xf32>,
        %swap3A_199 = vector.shape_cast %swap3A_198 : vector<1x16xf32> to vector<16xf32>
        %swap3A_200 = vector.shape_cast %get3A_195 : vector<16xf32> to vector<1x16xf32>
        tpu.vector_store %arg6[%swap3A_196, %swap3A_197], %swap3A_200 {strides = array<i32>} : memref<224x224xf32, #tpu.memory_space<vmem>>, vector<1x16xf32>,
        %get3A_201 = arith.constant 112 : index
        %get3A_202 = tpu.vector_load %arg5[%get3A_201] {strides = array<i32>} : memref<224xf32, #tpu.memory_space<vmem>>, vector<16xf32>,
        %get3A_203 = vector.shape_cast %get3A_202 : vector<16xf32> to vector<16xf32>
        %swap3A_204 = arith.index_cast %scan3A_146 : i32 to index
        %swap3A_205 = arith.constant 112 : index
        %swap3A_206 = tpu.vector_load %arg6[%swap3A_204, %swap3A_205] {strides = array<i32>} : memref<224x224xf32, #tpu.memory_space<vmem>>, vector<1x16xf32>,
        %swap3A_207 = vector.shape_cast %swap3A_206 : vector<1x16xf32> to vector<16xf32>
        %swap3A_208 = vector.shape_cast %get3A_203 : vector<16xf32> to vector<1x16xf32>
        tpu.vector_store %arg6[%swap3A_204, %swap3A_205], %swap3A_208 {strides = array<i32>} : memref<224x224xf32, #tpu.memory_space<vmem>>, vector<1x16xf32>,
        %get3A_209 = arith.constant 128 : index
        %get3A_210 = tpu.vector_load %arg5[%get3A_209] {strides = array<i32>} : memref<224xf32, #tpu.memory_space<vmem>>, vector<16xf32>,
        %get3A_211 = vector.shape_cast %get3A_210 : vector<16xf32> to vector<16xf32>
        %swap3A_212 = arith.index_cast %scan3A_146 : i32 to index
        %swap3A_213 = arith.constant 128 : index
        %swap3A_214 = tpu.vector_load %arg6[%swap3A_212, %swap3A_213] {strides = array<i32>} : memref<224x224xf32, #tpu.memory_space<vmem>>, vector<1x16xf32>,
        %swap3A_215 = vector.shape_cast %swap3A_214 : vector<1x16xf32> to vector<16xf32>
        %swap3A_216 = vector.shape_cast %get3A_211 : vector<16xf32> to vector<1x16xf32>
        tpu.vector_store %arg6[%swap3A_212, %swap3A_213], %swap3A_216 {strides = array<i32>} : memref<224x224xf32, #tpu.memory_space<vmem>>, vector<1x16xf32>,
        %get3A_217 = arith.constant 144 : index
        %get3A_218 = tpu.vector_load %arg5[%get3A_217] {strides = array<i32>} : memref<224xf32, #tpu.memory_space<vmem>>, vector<16xf32>,
        %get3A_219 = vector.shape_cast %get3A_218 : vector<16xf32> to vector<16xf32>
        %swap3A_220 = arith.index_cast %scan3A_146 : i32 to index
        %swap3A_221 = arith.constant 144 : index
        %swap3A_222 = tpu.vector_load %arg6[%swap3A_220, %swap3A_221] {strides = array<i32>} : memref<224x224xf32, #tpu.memory_space<vmem>>, vector<1x16xf32>,
        %swap3A_223 = vector.shape_cast %swap3A_222 : vector<1x16xf32> to vector<16xf32>
        %swap3A_224 = vector.shape_cast %get3A_219 : vector<16xf32> to vector<1x16xf32>
        tpu.vector_store %arg6[%swap3A_220, %swap3A_221], %swap3A_224 {strides = array<i32>} : memref<224x224xf32, #tpu.memory_space<vmem>>, vector<1x16xf32>,
        %get3A_225 = arith.constant 160 : index
        %get3A_226 = tpu.vector_load %arg5[%get3A_225] {strides = array<i32>} : memref<224xf32, #tpu.memory_space<vmem>>, vector<16xf32>,
        %get3A_227 = vector.shape_cast %get3A_226 : vector<16xf32> to vector<16xf32>
        %swap3A_228 = arith.index_cast %scan3A_146 : i32 to index
        %swap3A_229 = arith.constant 160 : index
        %swap3A_230 = tpu.vector_load %arg6[%swap3A_228, %swap3A_229] {strides = array<i32>} : memref<224x224xf32, #tpu.memory_space<vmem>>, vector<1x16xf32>,
        %swap3A_231 = vector.shape_cast %swap3A_230 : vector<1x16xf32> to vector<16xf32>
        %swap3A_232 = vector.shape_cast %get3A_227 : vector<16xf32> to vector<1x16xf32>
        tpu.vector_store %arg6[%swap3A_228, %swap3A_229], %swap3A_232 {strides = array<i32>} : memref<224x224xf32, #tpu.memory_space<vmem>>, vector<1x16xf32>,
        %get3A_233 = arith.constant 176 : index
        %get3A_234 = tpu.vector_load %arg5[%get3A_233] {strides = array<i32>} : memref<224xf32, #tpu.memory_space<vmem>>, vector<16xf32>,
        %get3A_235 = vector.shape_cast %get3A_234 : vector<16xf32> to vector<16xf32>
        %swap3A_236 = arith.index_cast %scan3A_146 : i32 to index
        %swap3A_237 = arith.constant 176 : index
        %swap3A_238 = tpu.vector_load %arg6[%swap3A_236, %swap3A_237] {strides = array<i32>} : memref<224x224xf32, #tpu.memory_space<vmem>>, vector<1x16xf32>,
        %swap3A_239 = vector.shape_cast %swap3A_238 : vector<1x16xf32> to vector<16xf32>
        %swap3A_240 = vector.shape_cast %get3A_235 : vector<16xf32> to vector<1x16xf32>
        tpu.vector_store %arg6[%swap3A_236, %swap3A_237], %swap3A_240 {strides = array<i32>} : memref<224x224xf32, #tpu.memory_space<vmem>>, vector<1x16xf32>,
        %get3A_241 = arith.constant 192 : index
        %get3A_242 = tpu.vector_load %arg5[%get3A_241] {strides = array<i32>} : memref<224xf32, #tpu.memory_space<vmem>>, vector<16xf32>,
        %get3A_243 = vector.shape_cast %get3A_242 : vector<16xf32> to vector<16xf32>
        %swap3A_244 = arith.index_cast %scan3A_146 : i32 to index
        %swap3A_245 = arith.constant 192 : index
        %swap3A_246 = tpu.vector_load %arg6[%swap3A_244, %swap3A_245] {strides = array<i32>} : memref<224x224xf32, #tpu.memory_space<vmem>>, vector<1x16xf32>,
        %swap3A_247 = vector.shape_cast %swap3A_246 : vector<1x16xf32> to vector<16xf32>
        %swap3A_248 = vector.shape_cast %get3A_243 : vector<16xf32> to vector<1x16xf32>
        tpu.vector_store %arg6[%swap3A_244, %swap3A_245], %swap3A_248 {strides = array<i32>} : memref<224x224xf32, #tpu.memory_space<vmem>>, vector<1x16xf32>,
        %get3A_249 = arith.constant 208 : index
        %get3A_250 = tpu.vector_load %arg5[%get3A_249] {strides = array<i32>} : memref<224xf32, #tpu.memory_space<vmem>>, vector<16xf32>,
        %get3A_251 = vector.shape_cast %get3A_250 : vector<16xf32> to vector<16xf32>
        %swap3A_252 = arith.index_cast %scan3A_146 : i32 to index
        %swap3A_253 = arith.constant 208 : index
        %swap3A_254 = tpu.vector_load %arg6[%swap3A_252, %swap3A_253] {strides = array<i32>} : memref<224x224xf32, #tpu.memory_space<vmem>>, vector<1x16xf32>,
        %swap3A_255 = vector.shape_cast %swap3A_254 : vector<1x16xf32> to vector<16xf32>
        %swap3A_256 = vector.shape_cast %get3A_251 : vector<16xf32> to vector<1x16xf32>
        tpu.vector_store %arg6[%swap3A_252, %swap3A_253], %swap3A_256 {strides = array<i32>} : memref<224x224xf32, #tpu.memory_space<vmem>>, vector<1x16xf32>,
      }
      %scan3A_21 = arith.constant 16 : i32
      %dma_start3A = arith.constant 0 : i32
      %dma_start3A_22 = arith.constant 0 : i32
      %dma_start3A_23 = arith.constant 0 : i32
      %dma_start3A_24 = tpu.memref_slice %arg6[%dma_start3A_22, %dma_start3A_23] : memref<224x224xf32, #tpu.memory_space<vmem>> -> memref<16x224xf32, #tpu.memory_space<vmem>>
      %dma_start3A_25 = arith.constant 0 : i32
      %dma_start3A_26 = arith.constant 0 : i32
      %dma_start3A_27 = tpu.memref_slice %arg4[%dma_start3A, %add3A, %dma_start3A_25, %dma_start3A_26] : memref<4x32x224x224xf32, #tpu.memory_space<hbm>> -> memref<1x1x16x224xf32, #tpu.memory_space<hbm>>
      %dma_start3A_28 = tpu.memref_squeeze %dma_start3A_27 : memref<1x1x16x224xf32, #tpu.memory_space<hbm>> -> memref<16x224xf32, #tpu.memory_space<hbm>>
      %dma_start3A_29 = arith.constant 0 : i32
      %dma_start3A_30 = arith.constant 0 : i32
      %dma_start3A_31 = tpu.memref_slice %arg4[%dma_start3A, %add3A, %dma_start3A_29, %dma_start3A_30] : memref<4x32x224x224xf32, #tpu.memory_space<hbm>> -> memref<1x1x16x224xf32, #tpu.memory_space<hbm>>
      %dma_start3A_32 = tpu.memref_squeeze %dma_start3A_31 : memref<1x1x16x224xf32, #tpu.memory_space<hbm>> -> memref<16x224xf32, #tpu.memory_space<hbm>>
      %dma_start3A_33 = arith.constant 0 : i32
      %dma_start3A_34 = arith.constant 0 : i32
      %dma_start3A_35 = tpu.memref_slice %arg6[%dma_start3A_33, %dma_start3A_34] : memref<224x224xf32, #tpu.memory_space<vmem>> -> memref<16x224xf32, #tpu.memory_space<vmem>>
      tpu.enqueue_dma source(%dma_start3A_35 : memref<16x224xf32, #tpu.memory_space<vmem>>) target(%dma_start3A_32 : memref<16x224xf32, #tpu.memory_space<hbm>>) target_semaphore(%arg7 : memref<!tpu.dma_semaphore, #tpu.memory_space<semaphore_mem>>)
      %dma_start3A_36 = arith.constant 1 : i32
      %dma_start3A_37 = arith.constant 0 : i32
      %dma_start3A_38 = arith.constant 0 : i32
      %dma_start3A_39 = tpu.memref_slice %arg6[%dma_start3A_37, %dma_start3A_38] : memref<224x224xf32, #tpu.memory_space<vmem>> -> memref<16x224xf32, #tpu.memory_space<vmem>>
      %dma_start3A_40 = arith.constant 0 : i32
      %dma_start3A_41 = arith.constant 0 : i32
      %dma_start3A_42 = tpu.memref_slice %arg4[%dma_start3A_36, %add3A, %dma_start3A_40, %dma_start3A_41] : memref<4x32x224x224xf32, #tpu.memory_space<hbm>> -> memref<1x1x16x224xf32, #tpu.memory_space<hbm>>
      %dma_start3A_43 = tpu.memref_squeeze %dma_start3A_42 : memref<1x1x16x224xf32, #tpu.memory_space<hbm>> -> memref<16x224xf32, #tpu.memory_space<hbm>>
      %dma_start3A_44 = arith.constant 0 : i32
      %dma_start3A_45 = arith.constant 0 : i32
      %dma_start3A_46 = tpu.memref_slice %arg4[%dma_start3A_36, %add3A, %dma_start3A_44, %dma_start3A_45] : memref<4x32x224x224xf32, #tpu.memory_space<hbm>> -> memref<1x1x16x224xf32, #tpu.memory_space<hbm>>
      %dma_start3A_47 = tpu.memref_squeeze %dma_start3A_46 : memref<1x1x16x224xf32, #tpu.memory_space<hbm>> -> memref<16x224xf32, #tpu.memory_space<hbm>>
      %dma_start3A_48 = arith.constant 0 : i32
      %dma_start3A_49 = arith.constant 0 : i32
      %dma_start3A_50 = tpu.memref_slice %arg6[%dma_start3A_48, %dma_start3A_49] : memref<224x224xf32, #tpu.memory_space<vmem>> -> memref<16x224xf32, #tpu.memory_space<vmem>>
      tpu.enqueue_dma source(%dma_start3A_50 : memref<16x224xf32, #tpu.memory_space<vmem>>) target(%dma_start3A_47 : memref<16x224xf32, #tpu.memory_space<hbm>>) target_semaphore(%arg7 : memref<!tpu.dma_semaphore, #tpu.memory_space<semaphore_mem>>)
      %dma_start3A_51 = arith.constant 2 : i32
      %dma_start3A_52 = arith.constant 0 : i32
      %dma_start3A_53 = arith.constant 0 : i32
      %dma_start3A_54 = tpu.memref_slice %arg6[%dma_start3A_52, %dma_start3A_53] : memref<224x224xf32, #tpu.memory_space<vmem>> -> memref<16x224xf32, #tpu.memory_space<vmem>>
      %dma_start3A_55 = arith.constant 0 : i32
      %dma_start3A_56 = arith.constant 0 : i32
      %dma_start3A_57 = tpu.memref_slice %arg4[%dma_start3A_51, %add3A, %dma_start3A_55, %dma_start3A_56] : memref<4x32x224x224xf32, #tpu.memory_space<hbm>> -> memref<1x1x16x224xf32, #tpu.memory_space<hbm>>
      %dma_start3A_58 = tpu.memref_squeeze %dma_start3A_57 : memref<1x1x16x224xf32, #tpu.memory_space<hbm>> -> memref<16x224xf32, #tpu.memory_space<hbm>>
      %dma_start3A_59 = arith.constant 0 : i32
      %dma_start3A_60 = arith.constant 0 : i32
      %dma_start3A_61 = tpu.memref_slice %arg4[%dma_start3A_51, %add3A, %dma_start3A_59, %dma_start3A_60] : memref<4x32x224x224xf32, #tpu.memory_space<hbm>> -> memref<1x1x16x224xf32, #tpu.memory_space<hbm>>
      %dma_start3A_62 = tpu.memref_squeeze %dma_start3A_61 : memref<1x1x16x224xf32, #tpu.memory_space<hbm>> -> memref<16x224xf32, #tpu.memory_space<hbm>>
      %dma_start3A_63 = arith.constant 0 : i32
      %dma_start3A_64 = arith.constant 0 : i32
      %dma_start3A_65 = tpu.memref_slice %arg6[%dma_start3A_63, %dma_start3A_64] : memref<224x224xf32, #tpu.memory_space<vmem>> -> memref<16x224xf32, #tpu.memory_space<vmem>>
      tpu.enqueue_dma source(%dma_start3A_65 : memref<16x224xf32, #tpu.memory_space<vmem>>) target(%dma_start3A_62 : memref<16x224xf32, #tpu.memory_space<hbm>>) target_semaphore(%arg7 : memref<!tpu.dma_semaphore, #tpu.memory_space<semaphore_mem>>)
      %dma_start3A_66 = arith.constant 3 : i32
      %dma_start3A_67 = arith.constant 0 : i32
      %dma_start3A_68 = arith.constant 0 : i32
      %dma_start3A_69 = tpu.memref_slice %arg6[%dma_start3A_67, %dma_start3A_68] : memref<224x224xf32, #tpu.memory_space<vmem>> -> memref<16x224xf32, #tpu.memory_space<vmem>>
      %dma_start3A_70 = arith.constant 0 : i32
      %dma_start3A_71 = arith.constant 0 : i32
      %dma_start3A_72 = tpu.memref_slice %arg4[%dma_start3A_66, %add3A, %dma_start3A_70, %dma_start3A_71] : memref<4x32x224x224xf32, #tpu.memory_space<hbm>> -> memref<1x1x16x224xf32, #tpu.memory_space<hbm>>
      %dma_start3A_73 = tpu.memref_squeeze %dma_start3A_72 : memref<1x1x16x224xf32, #tpu.memory_space<hbm>> -> memref<16x224xf32, #tpu.memory_space<hbm>>
      %dma_start3A_74 = arith.constant 0 : i32
      %dma_start3A_75 = arith.constant 0 : i32
      %dma_start3A_76 = tpu.memref_slice %arg4[%dma_start3A_66, %add3A, %dma_start3A_74, %dma_start3A_75] : memref<4x32x224x224xf32, #tpu.memory_space<hbm>> -> memref<1x1x16x224xf32, #tpu.memory_space<hbm>>
      %dma_start3A_77 = tpu.memref_squeeze %dma_start3A_76 : memref<1x1x16x224xf32, #tpu.memory_space<hbm>> -> memref<16x224xf32, #tpu.memory_space<hbm>>
      %dma_start3A_78 = arith.constant 0 : i32
      %dma_start3A_79 = arith.constant 0 : i32
      %dma_start3A_80 = tpu.memref_slice %arg6[%dma_start3A_78, %dma_start3A_79] : memref<224x224xf32, #tpu.memory_space<vmem>> -> memref<16x224xf32, #tpu.memory_space<vmem>>
      tpu.enqueue_dma source(%dma_start3A_80 : memref<16x224xf32, #tpu.memory_space<vmem>>) target(%dma_start3A_77 : memref<16x224xf32, #tpu.memory_space<hbm>>) target_semaphore(%arg7 : memref<!tpu.dma_semaphore, #tpu.memory_space<semaphore_mem>>)
      %scan3A_81 = arith.constant 0 : i32
      %scan3A_82 = arith.constant 1 : i32
      %scan3A_83 = arith.constant 13 : i32
      %scan3A_84 = arith.addi %scan3A_82, %scan3A_83 : i32
      %scan3A_85 = arith.constant 1 : i32
      scf.for %scan3A_146 = %scan3A_82 to %scan3A_84 step %scan3A_85  : i32 {
        %mul3A_147 = arith.constant 16 : i32
        %mul3A_148 = arith.muli %mul3A_147, %scan3A_146 : i32
        %dma_start3A_149 = arith.constant 0 : i32
        %dma_start3A_150 = arith.constant 0 : i32
        %dma_start3A_151 = arith.constant 0 : i32
        %dma_start3A_152 = tpu.memref_slice %arg6[%dma_start3A_150, %dma_start3A_151] : memref<224x224xf32, #tpu.memory_space<vmem>> -> memref<16x224xf32, #tpu.memory_space<vmem>>
        %dma_start3A_153 = arith.constant 0 : i32
        %dma_start3A_154 = tpu.memref_slice %arg4[%dma_start3A_149, %add3A, %mul3A_148, %dma_start3A_153] : memref<4x32x224x224xf32, #tpu.memory_space<hbm>> -> memref<1x1x16x224xf32, #tpu.memory_space<hbm>>
        %dma_start3A_155 = tpu.memref_squeeze %dma_start3A_154 : memref<1x1x16x224xf32, #tpu.memory_space<hbm>> -> memref<16x224xf32, #tpu.memory_space<hbm>>
        %dma_start3A_156 = arith.constant 0 : i32
        %dma_start3A_157 = tpu.memref_slice %arg4[%dma_start3A_149, %add3A, %mul3A_148, %dma_start3A_156] : memref<4x32x224x224xf32, #tpu.memory_space<hbm>> -> memref<1x1x16x224xf32, #tpu.memory_space<hbm>>
        %dma_start3A_158 = tpu.memref_squeeze %dma_start3A_157 : memref<1x1x16x224xf32, #tpu.memory_space<hbm>> -> memref<16x224xf32, #tpu.memory_space<hbm>>
        %dma_start3A_159 = arith.constant 0 : i32
        %dma_start3A_160 = arith.constant 0 : i32
        %dma_start3A_161 = tpu.memref_slice %arg6[%dma_start3A_159, %dma_start3A_160] : memref<224x224xf32, #tpu.memory_space<vmem>> -> memref<16x224xf32, #tpu.memory_space<vmem>>
        tpu.enqueue_dma source(%dma_start3A_161 : memref<16x224xf32, #tpu.memory_space<vmem>>) target(%dma_start3A_158 : memref<16x224xf32, #tpu.memory_space<hbm>>) target_semaphore(%arg7 : memref<!tpu.dma_semaphore, #tpu.memory_space<semaphore_mem>>)
        %mul3A_162 = arith.constant 16 : i32
        %mul3A_163 = arith.muli %mul3A_162, %scan3A_146 : i32
        %dma_start3A_164 = arith.constant 1 : i32
        %dma_start3A_165 = arith.constant 0 : i32
        %dma_start3A_166 = arith.constant 0 : i32
        %dma_start3A_167 = tpu.memref_slice %arg6[%dma_start3A_165, %dma_start3A_166] : memref<224x224xf32, #tpu.memory_space<vmem>> -> memref<16x224xf32, #tpu.memory_space<vmem>>
        %dma_start3A_168 = arith.constant 0 : i32
        %dma_start3A_169 = tpu.memref_slice %arg4[%dma_start3A_164, %add3A, %mul3A_163, %dma_start3A_168] : memref<4x32x224x224xf32, #tpu.memory_space<hbm>> -> memref<1x1x16x224xf32, #tpu.memory_space<hbm>>
        %dma_start3A_170 = tpu.memref_squeeze %dma_start3A_169 : memref<1x1x16x224xf32, #tpu.memory_space<hbm>> -> memref<16x224xf32, #tpu.memory_space<hbm>>
        %dma_start3A_171 = arith.constant 0 : i32
        %dma_start3A_172 = tpu.memref_slice %arg4[%dma_start3A_164, %add3A, %mul3A_163, %dma_start3A_171] : memref<4x32x224x224xf32, #tpu.memory_space<hbm>> -> memref<1x1x16x224xf32, #tpu.memory_space<hbm>>
        %dma_start3A_173 = tpu.memref_squeeze %dma_start3A_172 : memref<1x1x16x224xf32, #tpu.memory_space<hbm>> -> memref<16x224xf32, #tpu.memory_space<hbm>>
        %dma_start3A_174 = arith.constant 0 : i32
        %dma_start3A_175 = arith.constant 0 : i32
        %dma_start3A_176 = tpu.memref_slice %arg6[%dma_start3A_174, %dma_start3A_175] : memref<224x224xf32, #tpu.memory_space<vmem>> -> memref<16x224xf32, #tpu.memory_space<vmem>>
        tpu.enqueue_dma source(%dma_start3A_176 : memref<16x224xf32, #tpu.memory_space<vmem>>) target(%dma_start3A_173 : memref<16x224xf32, #tpu.memory_space<hbm>>) target_semaphore(%arg7 : memref<!tpu.dma_semaphore, #tpu.memory_space<semaphore_mem>>)
        %mul3A_177 = arith.constant 16 : i32
        %mul3A_178 = arith.muli %mul3A_177, %scan3A_146 : i32
        %dma_start3A_179 = arith.constant 2 : i32
        %dma_start3A_180 = arith.constant 0 : i32
        %dma_start3A_181 = arith.constant 0 : i32
        %dma_start3A_182 = tpu.memref_slice %arg6[%dma_start3A_180, %dma_start3A_181] : memref<224x224xf32, #tpu.memory_space<vmem>> -> memref<16x224xf32, #tpu.memory_space<vmem>>
        %dma_start3A_183 = arith.constant 0 : i32
        %dma_start3A_184 = tpu.memref_slice %arg4[%dma_start3A_179, %add3A, %mul3A_178, %dma_start3A_183] : memref<4x32x224x224xf32, #tpu.memory_space<hbm>> -> memref<1x1x16x224xf32, #tpu.memory_space<hbm>>
        %dma_start3A_185 = tpu.memref_squeeze %dma_start3A_184 : memref<1x1x16x224xf32, #tpu.memory_space<hbm>> -> memref<16x224xf32, #tpu.memory_space<hbm>>
        %dma_start3A_186 = arith.constant 0 : i32
        %dma_start3A_187 = tpu.memref_slice %arg4[%dma_start3A_179, %add3A, %mul3A_178, %dma_start3A_186] : memref<4x32x224x224xf32, #tpu.memory_space<hbm>> -> memref<1x1x16x224xf32, #tpu.memory_space<hbm>>
        %dma_start3A_188 = tpu.memref_squeeze %dma_start3A_187 : memref<1x1x16x224xf32, #tpu.memory_space<hbm>> -> memref<16x224xf32, #tpu.memory_space<hbm>>
        %dma_start3A_189 = arith.constant 0 : i32
        %dma_start3A_190 = arith.constant 0 : i32
        %dma_start3A_191 = tpu.memref_slice %arg6[%dma_start3A_189, %dma_start3A_190] : memref<224x224xf32, #tpu.memory_space<vmem>> -> memref<16x224xf32, #tpu.memory_space<vmem>>
        tpu.enqueue_dma source(%dma_start3A_191 : memref<16x224xf32, #tpu.memory_space<vmem>>) target(%dma_start3A_188 : memref<16x224xf32, #tpu.memory_space<hbm>>) target_semaphore(%arg7 : memref<!tpu.dma_semaphore, #tpu.memory_space<semaphore_mem>>)
        %mul3A_192 = arith.constant 16 : i32
        %mul3A_193 = arith.muli %mul3A_192, %scan3A_146 : i32
        %dma_start3A_194 = arith.constant 3 : i32
        %dma_start3A_195 = arith.constant 0 : i32
        %dma_start3A_196 = arith.constant 0 : i32
        %dma_start3A_197 = tpu.memref_slice %arg6[%dma_start3A_195, %dma_start3A_196] : memref<224x224xf32, #tpu.memory_space<vmem>> -> memref<16x224xf32, #tpu.memory_space<vmem>>
        %dma_start3A_198 = arith.constant 0 : i32
        %dma_start3A_199 = tpu.memref_slice %arg4[%dma_start3A_194, %add3A, %mul3A_193, %dma_start3A_198] : memref<4x32x224x224xf32, #tpu.memory_space<hbm>> -> memref<1x1x16x224xf32, #tpu.memory_space<hbm>>
        %dma_start3A_200 = tpu.memref_squeeze %dma_start3A_199 : memref<1x1x16x224xf32, #tpu.memory_space<hbm>> -> memref<16x224xf32, #tpu.memory_space<hbm>>
        %dma_start3A_201 = arith.constant 0 : i32
        %dma_start3A_202 = tpu.memref_slice %arg4[%dma_start3A_194, %add3A, %mul3A_193, %dma_start3A_201] : memref<4x32x224x224xf32, #tpu.memory_space<hbm>> -> memref<1x1x16x224xf32, #tpu.memory_space<hbm>>
        %dma_start3A_203 = tpu.memref_squeeze %dma_start3A_202 : memref<1x1x16x224xf32, #tpu.memory_space<hbm>> -> memref<16x224xf32, #tpu.memory_space<hbm>>
        %dma_start3A_204 = arith.constant 0 : i32
        %dma_start3A_205 = arith.constant 0 : i32
        %dma_start3A_206 = tpu.memref_slice %arg6[%dma_start3A_204, %dma_start3A_205] : memref<224x224xf32, #tpu.memory_space<vmem>> -> memref<16x224xf32, #tpu.memory_space<vmem>>
        tpu.enqueue_dma source(%dma_start3A_206 : memref<16x224xf32, #tpu.memory_space<vmem>>) target(%dma_start3A_203 : memref<16x224xf32, #tpu.memory_space<hbm>>) target_semaphore(%arg7 : memref<!tpu.dma_semaphore, #tpu.memory_space<semaphore_mem>>)
        %dma_wait3A_207 = arith.constant 0 : i32
        %dma_wait3A_208 = arith.constant 0 : i32
        %dma_wait3A_209 = arith.constant 0 : i32
        %dma_wait3A_210 = tpu.memref_slice %arg6[%dma_wait3A_208, %dma_wait3A_209] : memref<224x224xf32, #tpu.memory_space<vmem>> -> memref<16x224xf32, #tpu.memory_space<vmem>>
        %dma_wait3A_211 = arith.constant 0 : i32
        %dma_wait3A_212 = arith.constant 0 : i32
        %dma_wait3A_213 = tpu.memref_slice %arg4[%dma_wait3A_207, %add3A, %dma_wait3A_211, %dma_wait3A_212] : memref<4x32x224x224xf32, #tpu.memory_space<hbm>> -> memref<1x1x16x224xf32, #tpu.memory_space<hbm>>
        %dma_wait3A_214 = tpu.memref_squeeze %dma_wait3A_213 : memref<1x1x16x224xf32, #tpu.memory_space<hbm>> -> memref<16x224xf32, #tpu.memory_space<hbm>>
        %dma_wait3A_215 = arith.constant 0 : i32
        %dma_wait3A_216 = arith.constant 0 : i32
        %dma_wait3A_217 = tpu.memref_slice %arg4[%dma_wait3A_207, %add3A, %dma_wait3A_215, %dma_wait3A_216] : memref<4x32x224x224xf32, #tpu.memory_space<hbm>> -> memref<1x1x16x224xf32, #tpu.memory_space<hbm>>
        %dma_wait3A_218 = tpu.memref_squeeze %dma_wait3A_217 : memref<1x1x16x224xf32, #tpu.memory_space<hbm>> -> memref<16x224xf32, #tpu.memory_space<hbm>>
        %dma_wait3A_219 = arith.constant 0 : i32
        %dma_wait3A_220 = arith.constant 0 : i32
        %dma_wait3A_221 = tpu.memref_slice %arg6[%dma_wait3A_219, %dma_wait3A_220] : memref<224x224xf32, #tpu.memory_space<vmem>> -> memref<16x224xf32, #tpu.memory_space<vmem>>
        tpu.wait_dma2 semaphore(%arg7 : memref<!tpu.dma_semaphore, #tpu.memory_space<semaphore_mem>>) src(%dma_wait3A_221 : memref<16x224xf32, #tpu.memory_space<vmem>>) dst(%dma_wait3A_218 : memref<16x224xf32, #tpu.memory_space<hbm>>)
        %dma_wait3A_222 = arith.constant 1 : i32
        %dma_wait3A_223 = arith.constant 0 : i32
        %dma_wait3A_224 = arith.constant 0 : i32
        %dma_wait3A_225 = tpu.memref_slice %arg6[%dma_wait3A_223, %dma_wait3A_224] : memref<224x224xf32, #tpu.memory_space<vmem>> -> memref<16x224xf32, #tpu.memory_space<vmem>>
        %dma_wait3A_226 = arith.constant 0 : i32
        %dma_wait3A_227 = arith.constant 0 : i32
        %dma_wait3A_228 = tpu.memref_slice %arg4[%dma_wait3A_222, %add3A, %dma_wait3A_226, %dma_wait3A_227] : memref<4x32x224x224xf32, #tpu.memory_space<hbm>> -> memref<1x1x16x224xf32, #tpu.memory_space<hbm>>
        %dma_wait3A_229 = tpu.memref_squeeze %dma_wait3A_228 : memref<1x1x16x224xf32, #tpu.memory_space<hbm>> -> memref<16x224xf32, #tpu.memory_space<hbm>>
        %dma_wait3A_230 = arith.constant 0 : i32
        %dma_wait3A_231 = arith.constant 0 : i32
        %dma_wait3A_232 = tpu.memref_slice %arg4[%dma_wait3A_222, %add3A, %dma_wait3A_230, %dma_wait3A_231] : memref<4x32x224x224xf32, #tpu.memory_space<hbm>> -> memref<1x1x16x224xf32, #tpu.memory_space<hbm>>
        %dma_wait3A_233 = tpu.memref_squeeze %dma_wait3A_232 : memref<1x1x16x224xf32, #tpu.memory_space<hbm>> -> memref<16x224xf32, #tpu.memory_space<hbm>>
        %dma_wait3A_234 = arith.constant 0 : i32
        %dma_wait3A_235 = arith.constant 0 : i32
        %dma_wait3A_236 = tpu.memref_slice %arg6[%dma_wait3A_234, %dma_wait3A_235] : memref<224x224xf32, #tpu.memory_space<vmem>> -> memref<16x224xf32, #tpu.memory_space<vmem>>
        tpu.wait_dma2 semaphore(%arg7 : memref<!tpu.dma_semaphore, #tpu.memory_space<semaphore_mem>>) src(%dma_wait3A_236 : memref<16x224xf32, #tpu.memory_space<vmem>>) dst(%dma_wait3A_233 : memref<16x224xf32, #tpu.memory_space<hbm>>)
        %dma_wait3A_237 = arith.constant 2 : i32
        %dma_wait3A_238 = arith.constant 0 : i32
        %dma_wait3A_239 = arith.constant 0 : i32
        %dma_wait3A_240 = tpu.memref_slice %arg6[%dma_wait3A_238, %dma_wait3A_239] : memref<224x224xf32, #tpu.memory_space<vmem>> -> memref<16x224xf32, #tpu.memory_space<vmem>>
        %dma_wait3A_241 = arith.constant 0 : i32
        %dma_wait3A_242 = arith.constant 0 : i32
        %dma_wait3A_243 = tpu.memref_slice %arg4[%dma_wait3A_237, %add3A, %dma_wait3A_241, %dma_wait3A_242] : memref<4x32x224x224xf32, #tpu.memory_space<hbm>> -> memref<1x1x16x224xf32, #tpu.memory_space<hbm>>
        %dma_wait3A_244 = tpu.memref_squeeze %dma_wait3A_243 : memref<1x1x16x224xf32, #tpu.memory_space<hbm>> -> memref<16x224xf32, #tpu.memory_space<hbm>>
        %dma_wait3A_245 = arith.constant 0 : i32
        %dma_wait3A_246 = arith.constant 0 : i32
        %dma_wait3A_247 = tpu.memref_slice %arg4[%dma_wait3A_237, %add3A, %dma_wait3A_245, %dma_wait3A_246] : memref<4x32x224x224xf32, #tpu.memory_space<hbm>> -> memref<1x1x16x224xf32, #tpu.memory_space<hbm>>
        %dma_wait3A_248 = tpu.memref_squeeze %dma_wait3A_247 : memref<1x1x16x224xf32, #tpu.memory_space<hbm>> -> memref<16x224xf32, #tpu.memory_space<hbm>>
        %dma_wait3A_249 = arith.constant 0 : i32
        %dma_wait3A_250 = arith.constant 0 : i32
        %dma_wait3A_251 = tpu.memref_slice %arg6[%dma_wait3A_249, %dma_wait3A_250] : memref<224x224xf32, #tpu.memory_space<vmem>> -> memref<16x224xf32, #tpu.memory_space<vmem>>
        tpu.wait_dma2 semaphore(%arg7 : memref<!tpu.dma_semaphore, #tpu.memory_space<semaphore_mem>>) src(%dma_wait3A_251 : memref<16x224xf32, #tpu.memory_space<vmem>>) dst(%dma_wait3A_248 : memref<16x224xf32, #tpu.memory_space<hbm>>)
        %dma_wait3A_252 = arith.constant 3 : i32
        %dma_wait3A_253 = arith.constant 0 : i32
        %dma_wait3A_254 = arith.constant 0 : i32
        %dma_wait3A_255 = tpu.memref_slice %arg6[%dma_wait3A_253, %dma_wait3A_254] : memref<224x224xf32, #tpu.memory_space<vmem>> -> memref<16x224xf32, #tpu.memory_space<vmem>>
        %dma_wait3A_256 = arith.constant 0 : i32
        %dma_wait3A_257 = arith.constant 0 : i32
        %dma_wait3A_258 = tpu.memref_slice %arg4[%dma_wait3A_252, %add3A, %dma_wait3A_256, %dma_wait3A_257] : memref<4x32x224x224xf32, #tpu.memory_space<hbm>> -> memref<1x1x16x224xf32, #tpu.memory_space<hbm>>
        %dma_wait3A_259 = tpu.memref_squeeze %dma_wait3A_258 : memref<1x1x16x224xf32, #tpu.memory_space<hbm>> -> memref<16x224xf32, #tpu.memory_space<hbm>>
        %dma_wait3A_260 = arith.constant 0 : i32
        %dma_wait3A_261 = arith.constant 0 : i32
        %dma_wait3A_262 = tpu.memref_slice %arg4[%dma_wait3A_252, %add3A, %dma_wait3A_260, %dma_wait3A_261] : memref<4x32x224x224xf32, #tpu.memory_space<hbm>> -> memref<1x1x16x224xf32, #tpu.memory_space<hbm>>
        %dma_wait3A_263 = tpu.memref_squeeze %dma_wait3A_262 : memref<1x1x16x224xf32, #tpu.memory_space<hbm>> -> memref<16x224xf32, #tpu.memory_space<hbm>>
        %dma_wait3A_264 = arith.constant 0 : i32
        %dma_wait3A_265 = arith.constant 0 : i32
        %dma_wait3A_266 = tpu.memref_slice %arg6[%dma_wait3A_264, %dma_wait3A_265] : memref<224x224xf32, #tpu.memory_space<vmem>> -> memref<16x224xf32, #tpu.memory_space<vmem>>
        tpu.wait_dma2 semaphore(%arg7 : memref<!tpu.dma_semaphore, #tpu.memory_space<semaphore_mem>>) src(%dma_wait3A_266 : memref<16x224xf32, #tpu.memory_space<vmem>>) dst(%dma_wait3A_263 : memref<16x224xf32, #tpu.memory_space<hbm>>)
      }
      %scan3A_86 = arith.constant 13 : i32
      %dma_wait3A = arith.constant 0 : i32
      %dma_wait3A_87 = arith.constant 0 : i32
      %dma_wait3A_88 = arith.constant 0 : i32
      %dma_wait3A_89 = tpu.memref_slice %arg6[%dma_wait3A_87, %dma_wait3A_88] : memref<224x224xf32, #tpu.memory_space<vmem>> -> memref<16x224xf32, #tpu.memory_space<vmem>>
      %dma_wait3A_90 = arith.constant 0 : i32
      %dma_wait3A_91 = arith.constant 0 : i32
      %dma_wait3A_92 = tpu.memref_slice %arg4[%dma_wait3A, %add3A, %dma_wait3A_90, %dma_wait3A_91] : memref<4x32x224x224xf32, #tpu.memory_space<hbm>> -> memref<1x1x16x224xf32, #tpu.memory_space<hbm>>
      %dma_wait3A_93 = tpu.memref_squeeze %dma_wait3A_92 : memref<1x1x16x224xf32, #tpu.memory_space<hbm>> -> memref<16x224xf32, #tpu.memory_space<hbm>>
      %dma_wait3A_94 = arith.constant 0 : i32
      %dma_wait3A_95 = arith.constant 0 : i32
      %dma_wait3A_96 = tpu.memref_slice %arg4[%dma_wait3A, %add3A, %dma_wait3A_94, %dma_wait3A_95] : memref<4x32x224x224xf32, #tpu.memory_space<hbm>> -> memref<1x1x16x224xf32, #tpu.memory_space<hbm>>
      %dma_wait3A_97 = tpu.memref_squeeze %dma_wait3A_96 : memref<1x1x16x224xf32, #tpu.memory_space<hbm>> -> memref<16x224xf32, #tpu.memory_space<hbm>>
      %dma_wait3A_98 = arith.constant 0 : i32
      %dma_wait3A_99 = arith.constant 0 : i32
      %dma_wait3A_100 = tpu.memref_slice %arg6[%dma_wait3A_98, %dma_wait3A_99] : memref<224x224xf32, #tpu.memory_space<vmem>> -> memref<16x224xf32, #tpu.memory_space<vmem>>
      tpu.wait_dma2 semaphore(%arg7 : memref<!tpu.dma_semaphore, #tpu.memory_space<semaphore_mem>>) src(%dma_wait3A_100 : memref<16x224xf32, #tpu.memory_space<vmem>>) dst(%dma_wait3A_97 : memref<16x224xf32, #tpu.memory_space<hbm>>)
      %dma_wait3A_101 = arith.constant 1 : i32
      %dma_wait3A_102 = arith.constant 0 : i32
      %dma_wait3A_103 = arith.constant 0 : i32
      %dma_wait3A_104 = tpu.memref_slice %arg6[%dma_wait3A_102, %dma_wait3A_103] : memref<224x224xf32, #tpu.memory_space<vmem>> -> memref<16x224xf32, #tpu.memory_space<vmem>>
      %dma_wait3A_105 = arith.constant 0 : i32
      %dma_wait3A_106 = arith.constant 0 : i32
      %dma_wait3A_107 = tpu.memref_slice %arg4[%dma_wait3A_101, %add3A, %dma_wait3A_105, %dma_wait3A_106] : memref<4x32x224x224xf32, #tpu.memory_space<hbm>> -> memref<1x1x16x224xf32, #tpu.memory_space<hbm>>
      %dma_wait3A_108 = tpu.memref_squeeze %dma_wait3A_107 : memref<1x1x16x224xf32, #tpu.memory_space<hbm>> -> memref<16x224xf32, #tpu.memory_space<hbm>>
      %dma_wait3A_109 = arith.constant 0 : i32
      %dma_wait3A_110 = arith.constant 0 : i32
      %dma_wait3A_111 = tpu.memref_slice %arg4[%dma_wait3A_101, %add3A, %dma_wait3A_109, %dma_wait3A_110] : memref<4x32x224x224xf32, #tpu.memory_space<hbm>> -> memref<1x1x16x224xf32, #tpu.memory_space<hbm>>
      %dma_wait3A_112 = tpu.memref_squeeze %dma_wait3A_111 : memref<1x1x16x224xf32, #tpu.memory_space<hbm>> -> memref<16x224xf32, #tpu.memory_space<hbm>>
      %dma_wait3A_113 = arith.constant 0 : i32
      %dma_wait3A_114 = arith.constant 0 : i32
      %dma_wait3A_115 = tpu.memref_slice %arg6[%dma_wait3A_113, %dma_wait3A_114] : memref<224x224xf32, #tpu.memory_space<vmem>> -> memref<16x224xf32, #tpu.memory_space<vmem>>
      tpu.wait_dma2 semaphore(%arg7 : memref<!tpu.dma_semaphore, #tpu.memory_space<semaphore_mem>>) src(%dma_wait3A_115 : memref<16x224xf32, #tpu.memory_space<vmem>>) dst(%dma_wait3A_112 : memref<16x224xf32, #tpu.memory_space<hbm>>)
      %dma_wait3A_116 = arith.constant 2 : i32
      %dma_wait3A_117 = arith.constant 0 : i32
      %dma_wait3A_118 = arith.constant 0 : i32
      %dma_wait3A_119 = tpu.memref_slice %arg6[%dma_wait3A_117, %dma_wait3A_118] : memref<224x224xf32, #tpu.memory_space<vmem>> -> memref<16x224xf32, #tpu.memory_space<vmem>>
      %dma_wait3A_120 = arith.constant 0 : i32
      %dma_wait3A_121 = arith.constant 0 : i32
      %dma_wait3A_122 = tpu.memref_slice %arg4[%dma_wait3A_116, %add3A, %dma_wait3A_120, %dma_wait3A_121] : memref<4x32x224x224xf32, #tpu.memory_space<hbm>> -> memref<1x1x16x224xf32, #tpu.memory_space<hbm>>
      %dma_wait3A_123 = tpu.memref_squeeze %dma_wait3A_122 : memref<1x1x16x224xf32, #tpu.memory_space<hbm>> -> memref<16x224xf32, #tpu.memory_space<hbm>>
      %dma_wait3A_124 = arith.constant 0 : i32
      %dma_wait3A_125 = arith.constant 0 : i32
      %dma_wait3A_126 = tpu.memref_slice %arg4[%dma_wait3A_116, %add3A, %dma_wait3A_124, %dma_wait3A_125] : memref<4x32x224x224xf32, #tpu.memory_space<hbm>> -> memref<1x1x16x224xf32, #tpu.memory_space<hbm>>
      %dma_wait3A_127 = tpu.memref_squeeze %dma_wait3A_126 : memref<1x1x16x224xf32, #tpu.memory_space<hbm>> -> memref<16x224xf32, #tpu.memory_space<hbm>>
      %dma_wait3A_128 = arith.constant 0 : i32
      %dma_wait3A_129 = arith.constant 0 : i32
      %dma_wait3A_130 = tpu.memref_slice %arg6[%dma_wait3A_128, %dma_wait3A_129] : memref<224x224xf32, #tpu.memory_space<vmem>> -> memref<16x224xf32, #tpu.memory_space<vmem>>
      tpu.wait_dma2 semaphore(%arg7 : memref<!tpu.dma_semaphore, #tpu.memory_space<semaphore_mem>>) src(%dma_wait3A_130 : memref<16x224xf32, #tpu.memory_space<vmem>>) dst(%dma_wait3A_127 : memref<16x224xf32, #tpu.memory_space<hbm>>)
      %dma_wait3A_131 = arith.constant 3 : i32
      %dma_wait3A_132 = arith.constant 0 : i32
      %dma_wait3A_133 = arith.constant 0 : i32
      %dma_wait3A_134 = tpu.memref_slice %arg6[%dma_wait3A_132, %dma_wait3A_133] : memref<224x224xf32, #tpu.memory_space<vmem>> -> memref<16x224xf32, #tpu.memory_space<vmem>>
      %dma_wait3A_135 = arith.constant 0 : i32
      %dma_wait3A_136 = arith.constant 0 : i32
      %dma_wait3A_137 = tpu.memref_slice %arg4[%dma_wait3A_131, %add3A, %dma_wait3A_135, %dma_wait3A_136] : memref<4x32x224x224xf32, #tpu.memory_space<hbm>> -> memref<1x1x16x224xf32, #tpu.memory_space<hbm>>
      %dma_wait3A_138 = tpu.memref_squeeze %dma_wait3A_137 : memref<1x1x16x224xf32, #tpu.memory_space<hbm>> -> memref<16x224xf32, #tpu.memory_space<hbm>>
      %dma_wait3A_139 = arith.constant 0 : i32
      %dma_wait3A_140 = arith.constant 0 : i32
      %dma_wait3A_141 = tpu.memref_slice %arg4[%dma_wait3A_131, %add3A, %dma_wait3A_139, %dma_wait3A_140] : memref<4x32x224x224xf32, #tpu.memory_space<hbm>> -> memref<1x1x16x224xf32, #tpu.memory_space<hbm>>
      %dma_wait3A_142 = tpu.memref_squeeze %dma_wait3A_141 : memref<1x1x16x224xf32, #tpu.memory_space<hbm>> -> memref<16x224xf32, #tpu.memory_space<hbm>>
      %dma_wait3A_143 = arith.constant 0 : i32
      %dma_wait3A_144 = arith.constant 0 : i32
      %dma_wait3A_145 = tpu.memref_slice %arg6[%dma_wait3A_143, %dma_wait3A_144] : memref<224x224xf32, #tpu.memory_space<vmem>> -> memref<16x224xf32, #tpu.memory_space<vmem>>
      tpu.wait_dma2 semaphore(%arg7 : memref<!tpu.dma_semaphore, #tpu.memory_space<semaphore_mem>>) src(%dma_wait3A_145 : memref<16x224xf32, #tpu.memory_space<vmem>>) dst(%dma_wait3A_142 : memref<16x224xf32, #tpu.memory_space<hbm>>)
    } else {
    }
    %not3A = arith.constant true
    %not3A_13 = arith.xori %lt3A_1, %not3A : i1
    %convert_element_type3A_14 = arith.extui %not3A_13 : i1 to i32
    %cond3A_15 = arith.constant 0 : i32
    %cond3A_16 = arith.cmpi ne, %convert_element_type3A_14, %cond3A_15 : i32
    scf.if %cond3A_16 {
      "tpu.region"() ({
        %run_scoped3A = tpu.sem_alloc : memref<!tpu.dma_semaphore, #tpu.memory_space<semaphore_mem>>
        %dma_start3A_193 = arith.constant 0 : i32
        %dma_start3A_194 = tpu.memref_slice %arg3[%select_n3A_11, %dma_start3A_193] : memref<16x224xf32, #tpu.memory_space<hbm>> -> memref<1x224xf32, #tpu.memory_space<hbm>>
        %dma_start3A_195 = tpu.memref_squeeze %dma_start3A_194 : memref<1x224xf32, #tpu.memory_space<hbm>> -> memref<224xf32, #tpu.memory_space<hbm>>
        %dma_start3A_196 = arith.constant 0 : i32
        %dma_start3A_197 = tpu.memref_slice %arg3[%select_n3A_11, %dma_start3A_196] : memref<16x224xf32, #tpu.memory_space<hbm>> -> memref<1x224xf32, #tpu.memory_space<hbm>>
        %dma_start3A_198 = tpu.memref_squeeze %dma_start3A_197 : memref<1x224xf32, #tpu.memory_space<hbm>> -> memref<224xf32, #tpu.memory_space<hbm>>
        tpu.enqueue_dma source(%dma_start3A_198 : memref<224xf32, #tpu.memory_space<hbm>>) target(%arg5 : memref<224xf32, #tpu.memory_space<vmem>>) target_semaphore(%run_scoped3A : memref<!tpu.dma_semaphore, #tpu.memory_space<semaphore_mem>>)
        %dma_wait3A_199 = arith.constant 0 : i32
        %dma_wait3A_200 = tpu.memref_slice %arg3[%select_n3A_11, %dma_wait3A_199] : memref<16x224xf32, #tpu.memory_space<hbm>> -> memref<1x224xf32, #tpu.memory_space<hbm>>
        %dma_wait3A_201 = tpu.memref_squeeze %dma_wait3A_200 : memref<1x224xf32, #tpu.memory_space<hbm>> -> memref<224xf32, #tpu.memory_space<hbm>>
        %dma_wait3A_202 = arith.constant 0 : i32
        %dma_wait3A_203 = tpu.memref_slice %arg3[%select_n3A_11, %dma_wait3A_202] : memref<16x224xf32, #tpu.memory_space<hbm>> -> memref<1x224xf32, #tpu.memory_space<hbm>>
        %dma_wait3A_204 = tpu.memref_squeeze %dma_wait3A_203 : memref<1x224xf32, #tpu.memory_space<hbm>> -> memref<224xf32, #tpu.memory_space<hbm>>
        tpu.wait_dma2 semaphore(%run_scoped3A : memref<!tpu.dma_semaphore, #tpu.memory_space<semaphore_mem>>) src(%dma_wait3A_204 : memref<224xf32, #tpu.memory_space<hbm>>) dst(%arg5 : memref<224xf32, #tpu.memory_space<vmem>>)
        tpu.yield
      }) : () -> ()
      %get3A = arith.constant 0 : index
      %get3A_17 = tpu.vector_load %arg5[%get3A] {strides = array<i32>} : memref<224xf32, #tpu.memory_space<vmem>>, vector<16xf32>,
      %get3A_18 = vector.shape_cast %get3A_17 : vector<16xf32> to vector<16xf32>
      %slice3A = vector.extract_strided_slice %get3A_18 {offsets = [0], sizes = [1], strides = [1]} : vector<16xf32> to vector<1xf32>
      %squeeze3A = vector.extract %slice3A[0] : f32 from vector<1xf32>
      %broadcast_in_dim3A = vector.broadcast %squeeze3A : f32 to vector<16xf32>
      %slice3A_19 = vector.extract_strided_slice %get3A_18 {offsets = [1], sizes = [1], strides = [1]} : vector<16xf32> to vector<1xf32>
      %squeeze3A_20 = vector.extract %slice3A_19[0] : f32 from vector<1xf32>
      %broadcast_in_dim3A_21 = vector.broadcast %squeeze3A_20 : f32 to vector<16xf32>
      %slice3A_22 = vector.extract_strided_slice %get3A_18 {offsets = [2], sizes = [1], strides = [1]} : vector<16xf32> to vector<1xf32>
      %squeeze3A_23 = vector.extract %slice3A_22[0] : f32 from vector<1xf32>
      %broadcast_in_dim3A_24 = vector.broadcast %squeeze3A_23 : f32 to vector<16xf32>
      %slice3A_25 = vector.extract_strided_slice %get3A_18 {offsets = [3], sizes = [1], strides = [1]} : vector<16xf32> to vector<1xf32>
      %squeeze3A_26 = vector.extract %slice3A_25[0] : f32 from vector<1xf32>
      %broadcast_in_dim3A_27 = vector.broadcast %squeeze3A_26 : f32 to vector<16xf32>
      %slice3A_28 = vector.extract_strided_slice %get3A_18 {offsets = [4], sizes = [1], strides = [1]} : vector<16xf32> to vector<1xf32>
      %squeeze3A_29 = vector.extract %slice3A_28[0] : f32 from vector<1xf32>
      %broadcast_in_dim3A_30 = vector.broadcast %squeeze3A_29 : f32 to vector<16xf32>
      %slice3A_31 = vector.extract_strided_slice %get3A_18 {offsets = [5], sizes = [1], strides = [1]} : vector<16xf32> to vector<1xf32>
      %squeeze3A_32 = vector.extract %slice3A_31[0] : f32 from vector<1xf32>
      %broadcast_in_dim3A_33 = vector.broadcast %squeeze3A_32 : f32 to vector<16xf32>
      %slice3A_34 = vector.extract_strided_slice %get3A_18 {offsets = [6], sizes = [1], strides = [1]} : vector<16xf32> to vector<1xf32>
      %squeeze3A_35 = vector.extract %slice3A_34[0] : f32 from vector<1xf32>
      %broadcast_in_dim3A_36 = vector.broadcast %squeeze3A_35 : f32 to vector<16xf32>
      %slice3A_37 = vector.extract_strided_slice %get3A_18 {offsets = [7], sizes = [1], strides = [1]} : vector<16xf32> to vector<1xf32>
      %squeeze3A_38 = vector.extract %slice3A_37[0] : f32 from vector<1xf32>
      %broadcast_in_dim3A_39 = vector.broadcast %squeeze3A_38 : f32 to vector<16xf32>
      %slice3A_40 = vector.extract_strided_slice %get3A_18 {offsets = [8], sizes = [1], strides = [1]} : vector<16xf32> to vector<1xf32>
      %squeeze3A_41 = vector.extract %slice3A_40[0] : f32 from vector<1xf32>
      %broadcast_in_dim3A_42 = vector.broadcast %squeeze3A_41 : f32 to vector<16xf32>
      %slice3A_43 = vector.extract_strided_slice %get3A_18 {offsets = [9], sizes = [1], strides = [1]} : vector<16xf32> to vector<1xf32>
      %squeeze3A_44 = vector.extract %slice3A_43[0] : f32 from vector<1xf32>
      %broadcast_in_dim3A_45 = vector.broadcast %squeeze3A_44 : f32 to vector<16xf32>
      %slice3A_46 = vector.extract_strided_slice %get3A_18 {offsets = [10], sizes = [1], strides = [1]} : vector<16xf32> to vector<1xf32>
      %squeeze3A_47 = vector.extract %slice3A_46[0] : f32 from vector<1xf32>
      %broadcast_in_dim3A_48 = vector.broadcast %squeeze3A_47 : f32 to vector<16xf32>
      %slice3A_49 = vector.extract_strided_slice %get3A_18 {offsets = [11], sizes = [1], strides = [1]} : vector<16xf32> to vector<1xf32>
      %squeeze3A_50 = vector.extract %slice3A_49[0] : f32 from vector<1xf32>
      %broadcast_in_dim3A_51 = vector.broadcast %squeeze3A_50 : f32 to vector<16xf32>
      %slice3A_52 = vector.extract_strided_slice %get3A_18 {offsets = [12], sizes = [1], strides = [1]} : vector<16xf32> to vector<1xf32>
      %squeeze3A_53 = vector.extract %slice3A_52[0] : f32 from vector<1xf32>
      %broadcast_in_dim3A_54 = vector.broadcast %squeeze3A_53 : f32 to vector<16xf32>
      %slice3A_55 = vector.extract_strided_slice %get3A_18 {offsets = [13], sizes = [1], strides = [1]} : vector<16xf32> to vector<1xf32>
      %squeeze3A_56 = vector.extract %slice3A_55[0] : f32 from vector<1xf32>
      %broadcast_in_dim3A_57 = vector.broadcast %squeeze3A_56 : f32 to vector<16xf32>
      %slice3A_58 = vector.extract_strided_slice %get3A_18 {offsets = [14], sizes = [1], strides = [1]} : vector<16xf32> to vector<1xf32>
      %squeeze3A_59 = vector.extract %slice3A_58[0] : f32 from vector<1xf32>
      %broadcast_in_dim3A_60 = vector.broadcast %squeeze3A_59 : f32 to vector<16xf32>
      %slice3A_61 = vector.extract_strided_slice %get3A_18 {offsets = [15], sizes = [1], strides = [1]} : vector<16xf32> to vector<1xf32>
      %squeeze3A_62 = vector.extract %slice3A_61[0] : f32 from vector<1xf32>
      %broadcast_in_dim3A_63 = vector.broadcast %squeeze3A_62 : f32 to vector<16xf32>
      %scan3A = arith.constant 0 : i32
      %scan3A_64 = arith.constant 0 : i32
      %scan3A_65 = arith.constant 14 : i32
      %scan3A_66 = arith.addi %scan3A_64, %scan3A_65 : i32
      %scan3A_67 = arith.constant 1 : i32
      scf.for %scan3A_193 = %scan3A_64 to %scan3A_66 step %scan3A_67  : i32 {
        %mul3A_194 = arith.constant 16 : i32
        %mul3A_195 = arith.muli %mul3A_194, %scan3A_193 : i32
        %swap3A = arith.constant 0 : i32
        %swap3A_196 = arith.index_cast %swap3A : i32 to index
        %swap3A_197 = arith.index_cast %mul3A_195 : i32 to index
        %swap3A_198 = tpu.vector_load %arg6[%swap3A_196, %swap3A_197] {strides = array<i32>} : memref<224x224xf32, #tpu.memory_space<vmem>>, vector<1x16xf32>,
        %swap3A_199 = vector.shape_cast %swap3A_198 : vector<1x16xf32> to vector<16xf32>
        %swap3A_200 = vector.shape_cast %broadcast_in_dim3A : vector<16xf32> to vector<1x16xf32>
        tpu.vector_store %arg6[%swap3A_196, %swap3A_197], %swap3A_200 {strides = array<i32>} : memref<224x224xf32, #tpu.memory_space<vmem>>, vector<1x16xf32>,
        %mul3A_201 = arith.constant 16 : i32
        %mul3A_202 = arith.muli %mul3A_201, %scan3A_193 : i32
        %swap3A_203 = arith.constant 1 : i32
        %swap3A_204 = arith.index_cast %swap3A_203 : i32 to index
        %swap3A_205 = arith.index_cast %mul3A_202 : i32 to index
        %swap3A_206 = tpu.vector_load %arg6[%swap3A_204, %swap3A_205] {strides = array<i32>} : memref<224x224xf32, #tpu.memory_space<vmem>>, vector<1x16xf32>,
        %swap3A_207 = vector.shape_cast %swap3A_206 : vector<1x16xf32> to vector<16xf32>
        %swap3A_208 = vector.shape_cast %broadcast_in_dim3A_21 : vector<16xf32> to vector<1x16xf32>
        tpu.vector_store %arg6[%swap3A_204, %swap3A_205], %swap3A_208 {strides = array<i32>} : memref<224x224xf32, #tpu.memory_space<vmem>>, vector<1x16xf32>,
        %mul3A_209 = arith.constant 16 : i32
        %mul3A_210 = arith.muli %mul3A_209, %scan3A_193 : i32
        %swap3A_211 = arith.constant 2 : i32
        %swap3A_212 = arith.index_cast %swap3A_211 : i32 to index
        %swap3A_213 = arith.index_cast %mul3A_210 : i32 to index
        %swap3A_214 = tpu.vector_load %arg6[%swap3A_212, %swap3A_213] {strides = array<i32>} : memref<224x224xf32, #tpu.memory_space<vmem>>, vector<1x16xf32>,
        %swap3A_215 = vector.shape_cast %swap3A_214 : vector<1x16xf32> to vector<16xf32>
        %swap3A_216 = vector.shape_cast %broadcast_in_dim3A_24 : vector<16xf32> to vector<1x16xf32>
        tpu.vector_store %arg6[%swap3A_212, %swap3A_213], %swap3A_216 {strides = array<i32>} : memref<224x224xf32, #tpu.memory_space<vmem>>, vector<1x16xf32>,
        %mul3A_217 = arith.constant 16 : i32
        %mul3A_218 = arith.muli %mul3A_217, %scan3A_193 : i32
        %swap3A_219 = arith.constant 3 : i32
        %swap3A_220 = arith.index_cast %swap3A_219 : i32 to index
        %swap3A_221 = arith.index_cast %mul3A_218 : i32 to index
        %swap3A_222 = tpu.vector_load %arg6[%swap3A_220, %swap3A_221] {strides = array<i32>} : memref<224x224xf32, #tpu.memory_space<vmem>>, vector<1x16xf32>,
        %swap3A_223 = vector.shape_cast %swap3A_222 : vector<1x16xf32> to vector<16xf32>
        %swap3A_224 = vector.shape_cast %broadcast_in_dim3A_27 : vector<16xf32> to vector<1x16xf32>
        tpu.vector_store %arg6[%swap3A_220, %swap3A_221], %swap3A_224 {strides = array<i32>} : memref<224x224xf32, #tpu.memory_space<vmem>>, vector<1x16xf32>,
        %mul3A_225 = arith.constant 16 : i32
        %mul3A_226 = arith.muli %mul3A_225, %scan3A_193 : i32
        %swap3A_227 = arith.constant 4 : i32
        %swap3A_228 = arith.index_cast %swap3A_227 : i32 to index
        %swap3A_229 = arith.index_cast %mul3A_226 : i32 to index
        %swap3A_230 = tpu.vector_load %arg6[%swap3A_228, %swap3A_229] {strides = array<i32>} : memref<224x224xf32, #tpu.memory_space<vmem>>, vector<1x16xf32>,
        %swap3A_231 = vector.shape_cast %swap3A_230 : vector<1x16xf32> to vector<16xf32>
        %swap3A_232 = vector.shape_cast %broadcast_in_dim3A_30 : vector<16xf32> to vector<1x16xf32>
        tpu.vector_store %arg6[%swap3A_228, %swap3A_229], %swap3A_232 {strides = array<i32>} : memref<224x224xf32, #tpu.memory_space<vmem>>, vector<1x16xf32>,
        %mul3A_233 = arith.constant 16 : i32
        %mul3A_234 = arith.muli %mul3A_233, %scan3A_193 : i32
        %swap3A_235 = arith.constant 5 : i32
        %swap3A_236 = arith.index_cast %swap3A_235 : i32 to index
        %swap3A_237 = arith.index_cast %mul3A_234 : i32 to index
        %swap3A_238 = tpu.vector_load %arg6[%swap3A_236, %swap3A_237] {strides = array<i32>} : memref<224x224xf32, #tpu.memory_space<vmem>>, vector<1x16xf32>,
        %swap3A_239 = vector.shape_cast %swap3A_238 : vector<1x16xf32> to vector<16xf32>
        %swap3A_240 = vector.shape_cast %broadcast_in_dim3A_33 : vector<16xf32> to vector<1x16xf32>
        tpu.vector_store %arg6[%swap3A_236, %swap3A_237], %swap3A_240 {strides = array<i32>} : memref<224x224xf32, #tpu.memory_space<vmem>>, vector<1x16xf32>,
        %mul3A_241 = arith.constant 16 : i32
        %mul3A_242 = arith.muli %mul3A_241, %scan3A_193 : i32
        %swap3A_243 = arith.constant 6 : i32
        %swap3A_244 = arith.index_cast %swap3A_243 : i32 to index
        %swap3A_245 = arith.index_cast %mul3A_242 : i32 to index
        %swap3A_246 = tpu.vector_load %arg6[%swap3A_244, %swap3A_245] {strides = array<i32>} : memref<224x224xf32, #tpu.memory_space<vmem>>, vector<1x16xf32>,
        %swap3A_247 = vector.shape_cast %swap3A_246 : vector<1x16xf32> to vector<16xf32>
        %swap3A_248 = vector.shape_cast %broadcast_in_dim3A_36 : vector<16xf32> to vector<1x16xf32>
        tpu.vector_store %arg6[%swap3A_244, %swap3A_245], %swap3A_248 {strides = array<i32>} : memref<224x224xf32, #tpu.memory_space<vmem>>, vector<1x16xf32>,
        %mul3A_249 = arith.constant 16 : i32
        %mul3A_250 = arith.muli %mul3A_249, %scan3A_193 : i32
        %swap3A_251 = arith.constant 7 : i32
        %swap3A_252 = arith.index_cast %swap3A_251 : i32 to index
        %swap3A_253 = arith.index_cast %mul3A_250 : i32 to index
        %swap3A_254 = tpu.vector_load %arg6[%swap3A_252, %swap3A_253] {strides = array<i32>} : memref<224x224xf32, #tpu.memory_space<vmem>>, vector<1x16xf32>,
        %swap3A_255 = vector.shape_cast %swap3A_254 : vector<1x16xf32> to vector<16xf32>
        %swap3A_256 = vector.shape_cast %broadcast_in_dim3A_39 : vector<16xf32> to vector<1x16xf32>
        tpu.vector_store %arg6[%swap3A_252, %swap3A_253], %swap3A_256 {strides = array<i32>} : memref<224x224xf32, #tpu.memory_space<vmem>>, vector<1x16xf32>,
        %mul3A_257 = arith.constant 16 : i32
        %mul3A_258 = arith.muli %mul3A_257, %scan3A_193 : i32
        %swap3A_259 = arith.constant 8 : i32
        %swap3A_260 = arith.index_cast %swap3A_259 : i32 to index
        %swap3A_261 = arith.index_cast %mul3A_258 : i32 to index
        %swap3A_262 = tpu.vector_load %arg6[%swap3A_260, %swap3A_261] {strides = array<i32>} : memref<224x224xf32, #tpu.memory_space<vmem>>, vector<1x16xf32>,
        %swap3A_263 = vector.shape_cast %swap3A_262 : vector<1x16xf32> to vector<16xf32>
        %swap3A_264 = vector.shape_cast %broadcast_in_dim3A_42 : vector<16xf32> to vector<1x16xf32>
        tpu.vector_store %arg6[%swap3A_260, %swap3A_261], %swap3A_264 {strides = array<i32>} : memref<224x224xf32, #tpu.memory_space<vmem>>, vector<1x16xf32>,
        %mul3A_265 = arith.constant 16 : i32
        %mul3A_266 = arith.muli %mul3A_265, %scan3A_193 : i32
        %swap3A_267 = arith.constant 9 : i32
        %swap3A_268 = arith.index_cast %swap3A_267 : i32 to index
        %swap3A_269 = arith.index_cast %mul3A_266 : i32 to index
        %swap3A_270 = tpu.vector_load %arg6[%swap3A_268, %swap3A_269] {strides = array<i32>} : memref<224x224xf32, #tpu.memory_space<vmem>>, vector<1x16xf32>,
        %swap3A_271 = vector.shape_cast %swap3A_270 : vector<1x16xf32> to vector<16xf32>
        %swap3A_272 = vector.shape_cast %broadcast_in_dim3A_45 : vector<16xf32> to vector<1x16xf32>
        tpu.vector_store %arg6[%swap3A_268, %swap3A_269], %swap3A_272 {strides = array<i32>} : memref<224x224xf32, #tpu.memory_space<vmem>>, vector<1x16xf32>,
        %mul3A_273 = arith.constant 16 : i32
        %mul3A_274 = arith.muli %mul3A_273, %scan3A_193 : i32
        %swap3A_275 = arith.constant 10 : i32
        %swap3A_276 = arith.index_cast %swap3A_275 : i32 to index
        %swap3A_277 = arith.index_cast %mul3A_274 : i32 to index
        %swap3A_278 = tpu.vector_load %arg6[%swap3A_276, %swap3A_277] {strides = array<i32>} : memref<224x224xf32, #tpu.memory_space<vmem>>, vector<1x16xf32>,
        %swap3A_279 = vector.shape_cast %swap3A_278 : vector<1x16xf32> to vector<16xf32>
        %swap3A_280 = vector.shape_cast %broadcast_in_dim3A_48 : vector<16xf32> to vector<1x16xf32>
        tpu.vector_store %arg6[%swap3A_276, %swap3A_277], %swap3A_280 {strides = array<i32>} : memref<224x224xf32, #tpu.memory_space<vmem>>, vector<1x16xf32>,
        %mul3A_281 = arith.constant 16 : i32
        %mul3A_282 = arith.muli %mul3A_281, %scan3A_193 : i32
        %swap3A_283 = arith.constant 11 : i32
        %swap3A_284 = arith.index_cast %swap3A_283 : i32 to index
        %swap3A_285 = arith.index_cast %mul3A_282 : i32 to index
        %swap3A_286 = tpu.vector_load %arg6[%swap3A_284, %swap3A_285] {strides = array<i32>} : memref<224x224xf32, #tpu.memory_space<vmem>>, vector<1x16xf32>,
        %swap3A_287 = vector.shape_cast %swap3A_286 : vector<1x16xf32> to vector<16xf32>
        %swap3A_288 = vector.shape_cast %broadcast_in_dim3A_51 : vector<16xf32> to vector<1x16xf32>
        tpu.vector_store %arg6[%swap3A_284, %swap3A_285], %swap3A_288 {strides = array<i32>} : memref<224x224xf32, #tpu.memory_space<vmem>>, vector<1x16xf32>,
        %mul3A_289 = arith.constant 16 : i32
        %mul3A_290 = arith.muli %mul3A_289, %scan3A_193 : i32
        %swap3A_291 = arith.constant 12 : i32
        %swap3A_292 = arith.index_cast %swap3A_291 : i32 to index
        %swap3A_293 = arith.index_cast %mul3A_290 : i32 to index
        %swap3A_294 = tpu.vector_load %arg6[%swap3A_292, %swap3A_293] {strides = array<i32>} : memref<224x224xf32, #tpu.memory_space<vmem>>, vector<1x16xf32>,
        %swap3A_295 = vector.shape_cast %swap3A_294 : vector<1x16xf32> to vector<16xf32>
        %swap3A_296 = vector.shape_cast %broadcast_in_dim3A_54 : vector<16xf32> to vector<1x16xf32>
        tpu.vector_store %arg6[%swap3A_292, %swap3A_293], %swap3A_296 {strides = array<i32>} : memref<224x224xf32, #tpu.memory_space<vmem>>, vector<1x16xf32>,
        %mul3A_297 = arith.constant 16 : i32
        %mul3A_298 = arith.muli %mul3A_297, %scan3A_193 : i32
        %swap3A_299 = arith.constant 13 : i32
        %swap3A_300 = arith.index_cast %swap3A_299 : i32 to index
        %swap3A_301 = arith.index_cast %mul3A_298 : i32 to index
        %swap3A_302 = tpu.vector_load %arg6[%swap3A_300, %swap3A_301] {strides = array<i32>} : memref<224x224xf32, #tpu.memory_space<vmem>>, vector<1x16xf32>,
        %swap3A_303 = vector.shape_cast %swap3A_302 : vector<1x16xf32> to vector<16xf32>
        %swap3A_304 = vector.shape_cast %broadcast_in_dim3A_57 : vector<16xf32> to vector<1x16xf32>
        tpu.vector_store %arg6[%swap3A_300, %swap3A_301], %swap3A_304 {strides = array<i32>} : memref<224x224xf32, #tpu.memory_space<vmem>>, vector<1x16xf32>,
        %mul3A_305 = arith.constant 16 : i32
        %mul3A_306 = arith.muli %mul3A_305, %scan3A_193 : i32
        %swap3A_307 = arith.constant 14 : i32
        %swap3A_308 = arith.index_cast %swap3A_307 : i32 to index
        %swap3A_309 = arith.index_cast %mul3A_306 : i32 to index
        %swap3A_310 = tpu.vector_load %arg6[%swap3A_308, %swap3A_309] {strides = array<i32>} : memref<224x224xf32, #tpu.memory_space<vmem>>, vector<1x16xf32>,
        %swap3A_311 = vector.shape_cast %swap3A_310 : vector<1x16xf32> to vector<16xf32>
        %swap3A_312 = vector.shape_cast %broadcast_in_dim3A_60 : vector<16xf32> to vector<1x16xf32>
        tpu.vector_store %arg6[%swap3A_308, %swap3A_309], %swap3A_312 {strides = array<i32>} : memref<224x224xf32, #tpu.memory_space<vmem>>, vector<1x16xf32>,
        %mul3A_313 = arith.constant 16 : i32
        %mul3A_314 = arith.muli %mul3A_313, %scan3A_193 : i32
        %swap3A_315 = arith.constant 15 : i32
        %swap3A_316 = arith.index_cast %swap3A_315 : i32 to index
        %swap3A_317 = arith.index_cast %mul3A_314 : i32 to index
        %swap3A_318 = tpu.vector_load %arg6[%swap3A_316, %swap3A_317] {strides = array<i32>} : memref<224x224xf32, #tpu.memory_space<vmem>>, vector<1x16xf32>,
        %swap3A_319 = vector.shape_cast %swap3A_318 : vector<1x16xf32> to vector<16xf32>
        %swap3A_320 = vector.shape_cast %broadcast_in_dim3A_63 : vector<16xf32> to vector<1x16xf32>
        tpu.vector_store %arg6[%swap3A_316, %swap3A_317], %swap3A_320 {strides = array<i32>} : memref<224x224xf32, #tpu.memory_space<vmem>>, vector<1x16xf32>,
      }
      %scan3A_68 = arith.constant 14 : i32
      %dma_start3A = arith.constant 0 : i32
      %dma_start3A_69 = arith.constant 0 : i32
      %dma_start3A_70 = arith.constant 0 : i32
      %dma_start3A_71 = tpu.memref_slice %arg6[%dma_start3A_69, %dma_start3A_70] : memref<224x224xf32, #tpu.memory_space<vmem>> -> memref<16x224xf32, #tpu.memory_space<vmem>>
      %dma_start3A_72 = arith.constant 0 : i32
      %dma_start3A_73 = arith.constant 0 : i32
      %dma_start3A_74 = tpu.memref_slice %arg4[%dma_start3A, %add3A, %dma_start3A_72, %dma_start3A_73] : memref<4x32x224x224xf32, #tpu.memory_space<hbm>> -> memref<1x1x16x224xf32, #tpu.memory_space<hbm>>
      %dma_start3A_75 = tpu.memref_squeeze %dma_start3A_74 : memref<1x1x16x224xf32, #tpu.memory_space<hbm>> -> memref<16x224xf32, #tpu.memory_space<hbm>>
      %dma_start3A_76 = arith.constant 0 : i32
      %dma_start3A_77 = arith.constant 0 : i32
      %dma_start3A_78 = tpu.memref_slice %arg4[%dma_start3A, %add3A, %dma_start3A_76, %dma_start3A_77] : memref<4x32x224x224xf32, #tpu.memory_space<hbm>> -> memref<1x1x16x224xf32, #tpu.memory_space<hbm>>
      %dma_start3A_79 = tpu.memref_squeeze %dma_start3A_78 : memref<1x1x16x224xf32, #tpu.memory_space<hbm>> -> memref<16x224xf32, #tpu.memory_space<hbm>>
      %dma_start3A_80 = arith.constant 0 : i32
      %dma_start3A_81 = arith.constant 0 : i32
      %dma_start3A_82 = tpu.memref_slice %arg6[%dma_start3A_80, %dma_start3A_81] : memref<224x224xf32, #tpu.memory_space<vmem>> -> memref<16x224xf32, #tpu.memory_space<vmem>>
      tpu.enqueue_dma source(%dma_start3A_82 : memref<16x224xf32, #tpu.memory_space<vmem>>) target(%dma_start3A_79 : memref<16x224xf32, #tpu.memory_space<hbm>>) target_semaphore(%arg7 : memref<!tpu.dma_semaphore, #tpu.memory_space<semaphore_mem>>)
      %dma_start3A_83 = arith.constant 1 : i32
      %dma_start3A_84 = arith.constant 0 : i32
      %dma_start3A_85 = arith.constant 0 : i32
      %dma_start3A_86 = tpu.memref_slice %arg6[%dma_start3A_84, %dma_start3A_85] : memref<224x224xf32, #tpu.memory_space<vmem>> -> memref<16x224xf32, #tpu.memory_space<vmem>>
      %dma_start3A_87 = arith.constant 0 : i32
      %dma_start3A_88 = arith.constant 0 : i32
      %dma_start3A_89 = tpu.memref_slice %arg4[%dma_start3A_83, %add3A, %dma_start3A_87, %dma_start3A_88] : memref<4x32x224x224xf32, #tpu.memory_space<hbm>> -> memref<1x1x16x224xf32, #tpu.memory_space<hbm>>
      %dma_start3A_90 = tpu.memref_squeeze %dma_start3A_89 : memref<1x1x16x224xf32, #tpu.memory_space<hbm>> -> memref<16x224xf32, #tpu.memory_space<hbm>>
      %dma_start3A_91 = arith.constant 0 : i32
      %dma_start3A_92 = arith.constant 0 : i32
      %dma_start3A_93 = tpu.memref_slice %arg4[%dma_start3A_83, %add3A, %dma_start3A_91, %dma_start3A_92] : memref<4x32x224x224xf32, #tpu.memory_space<hbm>> -> memref<1x1x16x224xf32, #tpu.memory_space<hbm>>
      %dma_start3A_94 = tpu.memref_squeeze %dma_start3A_93 : memref<1x1x16x224xf32, #tpu.memory_space<hbm>> -> memref<16x224xf32, #tpu.memory_space<hbm>>
      %dma_start3A_95 = arith.constant 0 : i32
      %dma_start3A_96 = arith.constant 0 : i32
      %dma_start3A_97 = tpu.memref_slice %arg6[%dma_start3A_95, %dma_start3A_96] : memref<224x224xf32, #tpu.memory_space<vmem>> -> memref<16x224xf32, #tpu.memory_space<vmem>>
      tpu.enqueue_dma source(%dma_start3A_97 : memref<16x224xf32, #tpu.memory_space<vmem>>) target(%dma_start3A_94 : memref<16x224xf32, #tpu.memory_space<hbm>>) target_semaphore(%arg7 : memref<!tpu.dma_semaphore, #tpu.memory_space<semaphore_mem>>)
      %dma_start3A_98 = arith.constant 2 : i32
      %dma_start3A_99 = arith.constant 0 : i32
      %dma_start3A_100 = arith.constant 0 : i32
      %dma_start3A_101 = tpu.memref_slice %arg6[%dma_start3A_99, %dma_start3A_100] : memref<224x224xf32, #tpu.memory_space<vmem>> -> memref<16x224xf32, #tpu.memory_space<vmem>>
      %dma_start3A_102 = arith.constant 0 : i32
      %dma_start3A_103 = arith.constant 0 : i32
      %dma_start3A_104 = tpu.memref_slice %arg4[%dma_start3A_98, %add3A, %dma_start3A_102, %dma_start3A_103] : memref<4x32x224x224xf32, #tpu.memory_space<hbm>> -> memref<1x1x16x224xf32, #tpu.memory_space<hbm>>
      %dma_start3A_105 = tpu.memref_squeeze %dma_start3A_104 : memref<1x1x16x224xf32, #tpu.memory_space<hbm>> -> memref<16x224xf32, #tpu.memory_space<hbm>>
      %dma_start3A_106 = arith.constant 0 : i32
      %dma_start3A_107 = arith.constant 0 : i32
      %dma_start3A_108 = tpu.memref_slice %arg4[%dma_start3A_98, %add3A, %dma_start3A_106, %dma_start3A_107] : memref<4x32x224x224xf32, #tpu.memory_space<hbm>> -> memref<1x1x16x224xf32, #tpu.memory_space<hbm>>
      %dma_start3A_109 = tpu.memref_squeeze %dma_start3A_108 : memref<1x1x16x224xf32, #tpu.memory_space<hbm>> -> memref<16x224xf32, #tpu.memory_space<hbm>>
      %dma_start3A_110 = arith.constant 0 : i32
      %dma_start3A_111 = arith.constant 0 : i32
      %dma_start3A_112 = tpu.memref_slice %arg6[%dma_start3A_110, %dma_start3A_111] : memref<224x224xf32, #tpu.memory_space<vmem>> -> memref<16x224xf32, #tpu.memory_space<vmem>>
      tpu.enqueue_dma source(%dma_start3A_112 : memref<16x224xf32, #tpu.memory_space<vmem>>) target(%dma_start3A_109 : memref<16x224xf32, #tpu.memory_space<hbm>>) target_semaphore(%arg7 : memref<!tpu.dma_semaphore, #tpu.memory_space<semaphore_mem>>)
      %dma_start3A_113 = arith.constant 3 : i32
      %dma_start3A_114 = arith.constant 0 : i32
      %dma_start3A_115 = arith.constant 0 : i32
      %dma_start3A_116 = tpu.memref_slice %arg6[%dma_start3A_114, %dma_start3A_115] : memref<224x224xf32, #tpu.memory_space<vmem>> -> memref<16x224xf32, #tpu.memory_space<vmem>>
      %dma_start3A_117 = arith.constant 0 : i32
      %dma_start3A_118 = arith.constant 0 : i32
      %dma_start3A_119 = tpu.memref_slice %arg4[%dma_start3A_113, %add3A, %dma_start3A_117, %dma_start3A_118] : memref<4x32x224x224xf32, #tpu.memory_space<hbm>> -> memref<1x1x16x224xf32, #tpu.memory_space<hbm>>
      %dma_start3A_120 = tpu.memref_squeeze %dma_start3A_119 : memref<1x1x16x224xf32, #tpu.memory_space<hbm>> -> memref<16x224xf32, #tpu.memory_space<hbm>>
      %dma_start3A_121 = arith.constant 0 : i32
      %dma_start3A_122 = arith.constant 0 : i32
      %dma_start3A_123 = tpu.memref_slice %arg4[%dma_start3A_113, %add3A, %dma_start3A_121, %dma_start3A_122] : memref<4x32x224x224xf32, #tpu.memory_space<hbm>> -> memref<1x1x16x224xf32, #tpu.memory_space<hbm>>
      %dma_start3A_124 = tpu.memref_squeeze %dma_start3A_123 : memref<1x1x16x224xf32, #tpu.memory_space<hbm>> -> memref<16x224xf32, #tpu.memory_space<hbm>>
      %dma_start3A_125 = arith.constant 0 : i32
      %dma_start3A_126 = arith.constant 0 : i32
      %dma_start3A_127 = tpu.memref_slice %arg6[%dma_start3A_125, %dma_start3A_126] : memref<224x224xf32, #tpu.memory_space<vmem>> -> memref<16x224xf32, #tpu.memory_space<vmem>>
      tpu.enqueue_dma source(%dma_start3A_127 : memref<16x224xf32, #tpu.memory_space<vmem>>) target(%dma_start3A_124 : memref<16x224xf32, #tpu.memory_space<hbm>>) target_semaphore(%arg7 : memref<!tpu.dma_semaphore, #tpu.memory_space<semaphore_mem>>)
      %scan3A_128 = arith.constant 0 : i32
      %scan3A_129 = arith.constant 1 : i32
      %scan3A_130 = arith.constant 13 : i32
      %scan3A_131 = arith.addi %scan3A_129, %scan3A_130 : i32
      %scan3A_132 = arith.constant 1 : i32
      scf.for %scan3A_193 = %scan3A_129 to %scan3A_131 step %scan3A_132  : i32 {
        %mul3A_194 = arith.constant 16 : i32
        %mul3A_195 = arith.muli %mul3A_194, %scan3A_193 : i32
        %get3A_196 = arith.index_cast %mul3A_195 : i32 to index
        %get3A_197 = tpu.vector_load %arg5[%get3A_196] {strides = array<i32>} : memref<224xf32, #tpu.memory_space<vmem>>, vector<16xf32>,
        %get3A_198 = vector.shape_cast %get3A_197 : vector<16xf32> to vector<16xf32>
        %slice3A_199 = vector.extract_strided_slice %get3A_198 {offsets = [0], sizes = [1], strides = [1]} : vector<16xf32> to vector<1xf32>
        %squeeze3A_200 = vector.extract %slice3A_199[0] : f32 from vector<1xf32>
        %broadcast_in_dim3A_201 = vector.broadcast %squeeze3A_200 : f32 to vector<16xf32>
        %slice3A_202 = vector.extract_strided_slice %get3A_198 {offsets = [1], sizes = [1], strides = [1]} : vector<16xf32> to vector<1xf32>
        %squeeze3A_203 = vector.extract %slice3A_202[0] : f32 from vector<1xf32>
        %broadcast_in_dim3A_204 = vector.broadcast %squeeze3A_203 : f32 to vector<16xf32>
        %slice3A_205 = vector.extract_strided_slice %get3A_198 {offsets = [2], sizes = [1], strides = [1]} : vector<16xf32> to vector<1xf32>
        %squeeze3A_206 = vector.extract %slice3A_205[0] : f32 from vector<1xf32>
        %broadcast_in_dim3A_207 = vector.broadcast %squeeze3A_206 : f32 to vector<16xf32>
        %slice3A_208 = vector.extract_strided_slice %get3A_198 {offsets = [3], sizes = [1], strides = [1]} : vector<16xf32> to vector<1xf32>
        %squeeze3A_209 = vector.extract %slice3A_208[0] : f32 from vector<1xf32>
        %broadcast_in_dim3A_210 = vector.broadcast %squeeze3A_209 : f32 to vector<16xf32>
        %slice3A_211 = vector.extract_strided_slice %get3A_198 {offsets = [4], sizes = [1], strides = [1]} : vector<16xf32> to vector<1xf32>
        %squeeze3A_212 = vector.extract %slice3A_211[0] : f32 from vector<1xf32>
        %broadcast_in_dim3A_213 = vector.broadcast %squeeze3A_212 : f32 to vector<16xf32>
        %slice3A_214 = vector.extract_strided_slice %get3A_198 {offsets = [5], sizes = [1], strides = [1]} : vector<16xf32> to vector<1xf32>
        %squeeze3A_215 = vector.extract %slice3A_214[0] : f32 from vector<1xf32>
        %broadcast_in_dim3A_216 = vector.broadcast %squeeze3A_215 : f32 to vector<16xf32>
        %slice3A_217 = vector.extract_strided_slice %get3A_198 {offsets = [6], sizes = [1], strides = [1]} : vector<16xf32> to vector<1xf32>
        %squeeze3A_218 = vector.extract %slice3A_217[0] : f32 from vector<1xf32>
        %broadcast_in_dim3A_219 = vector.broadcast %squeeze3A_218 : f32 to vector<16xf32>
        %slice3A_220 = vector.extract_strided_slice %get3A_198 {offsets = [7], sizes = [1], strides = [1]} : vector<16xf32> to vector<1xf32>
        %squeeze3A_221 = vector.extract %slice3A_220[0] : f32 from vector<1xf32>
        %broadcast_in_dim3A_222 = vector.broadcast %squeeze3A_221 : f32 to vector<16xf32>
        %slice3A_223 = vector.extract_strided_slice %get3A_198 {offsets = [8], sizes = [1], strides = [1]} : vector<16xf32> to vector<1xf32>
        %squeeze3A_224 = vector.extract %slice3A_223[0] : f32 from vector<1xf32>
        %broadcast_in_dim3A_225 = vector.broadcast %squeeze3A_224 : f32 to vector<16xf32>
        %slice3A_226 = vector.extract_strided_slice %get3A_198 {offsets = [9], sizes = [1], strides = [1]} : vector<16xf32> to vector<1xf32>
        %squeeze3A_227 = vector.extract %slice3A_226[0] : f32 from vector<1xf32>
        %broadcast_in_dim3A_228 = vector.broadcast %squeeze3A_227 : f32 to vector<16xf32>
        %slice3A_229 = vector.extract_strided_slice %get3A_198 {offsets = [10], sizes = [1], strides = [1]} : vector<16xf32> to vector<1xf32>
        %squeeze3A_230 = vector.extract %slice3A_229[0] : f32 from vector<1xf32>
        %broadcast_in_dim3A_231 = vector.broadcast %squeeze3A_230 : f32 to vector<16xf32>
        %slice3A_232 = vector.extract_strided_slice %get3A_198 {offsets = [11], sizes = [1], strides = [1]} : vector<16xf32> to vector<1xf32>
        %squeeze3A_233 = vector.extract %slice3A_232[0] : f32 from vector<1xf32>
        %broadcast_in_dim3A_234 = vector.broadcast %squeeze3A_233 : f32 to vector<16xf32>
        %slice3A_235 = vector.extract_strided_slice %get3A_198 {offsets = [12], sizes = [1], strides = [1]} : vector<16xf32> to vector<1xf32>
        %squeeze3A_236 = vector.extract %slice3A_235[0] : f32 from vector<1xf32>
        %broadcast_in_dim3A_237 = vector.broadcast %squeeze3A_236 : f32 to vector<16xf32>
        %slice3A_238 = vector.extract_strided_slice %get3A_198 {offsets = [13], sizes = [1], strides = [1]} : vector<16xf32> to vector<1xf32>
        %squeeze3A_239 = vector.extract %slice3A_238[0] : f32 from vector<1xf32>
        %broadcast_in_dim3A_240 = vector.broadcast %squeeze3A_239 : f32 to vector<16xf32>
        %slice3A_241 = vector.extract_strided_slice %get3A_198 {offsets = [14], sizes = [1], strides = [1]} : vector<16xf32> to vector<1xf32>
        %squeeze3A_242 = vector.extract %slice3A_241[0] : f32 from vector<1xf32>
        %broadcast_in_dim3A_243 = vector.broadcast %squeeze3A_242 : f32 to vector<16xf32>
        %slice3A_244 = vector.extract_strided_slice %get3A_198 {offsets = [15], sizes = [1], strides = [1]} : vector<16xf32> to vector<1xf32>
        %squeeze3A_245 = vector.extract %slice3A_244[0] : f32 from vector<1xf32>
        %broadcast_in_dim3A_246 = vector.broadcast %squeeze3A_245 : f32 to vector<16xf32>
        %scan3A_247 = arith.constant 0 : i32
        %scan3A_248 = arith.constant 0 : i32
        %scan3A_249 = arith.constant 14 : i32
        %scan3A_250 = arith.addi %scan3A_248, %scan3A_249 : i32
        %scan3A_251 = arith.constant 1 : i32
        scf.for %scan3A_373 = %scan3A_248 to %scan3A_250 step %scan3A_251  : i32 {
          %mul3A_374 = arith.constant 16 : i32
          %mul3A_375 = arith.muli %mul3A_374, %scan3A_193 : i32
          %add3A_376 = arith.constant 0 : i32
          %add3A_377 = arith.addi %mul3A_375, %add3A_376 : i32
          %mul3A_378 = arith.constant 16 : i32
          %mul3A_379 = arith.muli %mul3A_378, %scan3A_373 : i32
          %swap3A = arith.index_cast %add3A_377 : i32 to index
          %swap3A_380 = arith.index_cast %mul3A_379 : i32 to index
          %swap3A_381 = tpu.vector_load %arg6[%swap3A, %swap3A_380] {strides = array<i32>} : memref<224x224xf32, #tpu.memory_space<vmem>>, vector<1x16xf32>,
          %swap3A_382 = vector.shape_cast %swap3A_381 : vector<1x16xf32> to vector<16xf32>
          %swap3A_383 = vector.shape_cast %broadcast_in_dim3A_201 : vector<16xf32> to vector<1x16xf32>
          tpu.vector_store %arg6[%swap3A, %swap3A_380], %swap3A_383 {strides = array<i32>} : memref<224x224xf32, #tpu.memory_space<vmem>>, vector<1x16xf32>,
          %mul3A_384 = arith.constant 16 : i32
          %mul3A_385 = arith.muli %mul3A_384, %scan3A_193 : i32
          %add3A_386 = arith.constant 1 : i32
          %add3A_387 = arith.addi %mul3A_385, %add3A_386 : i32
          %mul3A_388 = arith.constant 16 : i32
          %mul3A_389 = arith.muli %mul3A_388, %scan3A_373 : i32
          %swap3A_390 = arith.index_cast %add3A_387 : i32 to index
          %swap3A_391 = arith.index_cast %mul3A_389 : i32 to index
          %swap3A_392 = tpu.vector_load %arg6[%swap3A_390, %swap3A_391] {strides = array<i32>} : memref<224x224xf32, #tpu.memory_space<vmem>>, vector<1x16xf32>,
          %swap3A_393 = vector.shape_cast %swap3A_392 : vector<1x16xf32> to vector<16xf32>
          %swap3A_394 = vector.shape_cast %broadcast_in_dim3A_204 : vector<16xf32> to vector<1x16xf32>
          tpu.vector_store %arg6[%swap3A_390, %swap3A_391], %swap3A_394 {strides = array<i32>} : memref<224x224xf32, #tpu.memory_space<vmem>>, vector<1x16xf32>,
          %mul3A_395 = arith.constant 16 : i32
          %mul3A_396 = arith.muli %mul3A_395, %scan3A_193 : i32
          %add3A_397 = arith.constant 2 : i32
          %add3A_398 = arith.addi %mul3A_396, %add3A_397 : i32
          %mul3A_399 = arith.constant 16 : i32
          %mul3A_400 = arith.muli %mul3A_399, %scan3A_373 : i32
          %swap3A_401 = arith.index_cast %add3A_398 : i32 to index
          %swap3A_402 = arith.index_cast %mul3A_400 : i32 to index
          %swap3A_403 = tpu.vector_load %arg6[%swap3A_401, %swap3A_402] {strides = array<i32>} : memref<224x224xf32, #tpu.memory_space<vmem>>, vector<1x16xf32>,
          %swap3A_404 = vector.shape_cast %swap3A_403 : vector<1x16xf32> to vector<16xf32>
          %swap3A_405 = vector.shape_cast %broadcast_in_dim3A_207 : vector<16xf32> to vector<1x16xf32>
          tpu.vector_store %arg6[%swap3A_401, %swap3A_402], %swap3A_405 {strides = array<i32>} : memref<224x224xf32, #tpu.memory_space<vmem>>, vector<1x16xf32>,
          %mul3A_406 = arith.constant 16 : i32
          %mul3A_407 = arith.muli %mul3A_406, %scan3A_193 : i32
          %add3A_408 = arith.constant 3 : i32
          %add3A_409 = arith.addi %mul3A_407, %add3A_408 : i32
          %mul3A_410 = arith.constant 16 : i32
          %mul3A_411 = arith.muli %mul3A_410, %scan3A_373 : i32
          %swap3A_412 = arith.index_cast %add3A_409 : i32 to index
          %swap3A_413 = arith.index_cast %mul3A_411 : i32 to index
          %swap3A_414 = tpu.vector_load %arg6[%swap3A_412, %swap3A_413] {strides = array<i32>} : memref<224x224xf32, #tpu.memory_space<vmem>>, vector<1x16xf32>,
          %swap3A_415 = vector.shape_cast %swap3A_414 : vector<1x16xf32> to vector<16xf32>
          %swap3A_416 = vector.shape_cast %broadcast_in_dim3A_210 : vector<16xf32> to vector<1x16xf32>
          tpu.vector_store %arg6[%swap3A_412, %swap3A_413], %swap3A_416 {strides = array<i32>} : memref<224x224xf32, #tpu.memory_space<vmem>>, vector<1x16xf32>,
          %mul3A_417 = arith.constant 16 : i32
          %mul3A_418 = arith.muli %mul3A_417, %scan3A_193 : i32
          %add3A_419 = arith.constant 4 : i32
          %add3A_420 = arith.addi %mul3A_418, %add3A_419 : i32
          %mul3A_421 = arith.constant 16 : i32
          %mul3A_422 = arith.muli %mul3A_421, %scan3A_373 : i32
          %swap3A_423 = arith.index_cast %add3A_420 : i32 to index
          %swap3A_424 = arith.index_cast %mul3A_422 : i32 to index
          %swap3A_425 = tpu.vector_load %arg6[%swap3A_423, %swap3A_424] {strides = array<i32>} : memref<224x224xf32, #tpu.memory_space<vmem>>, vector<1x16xf32>,
          %swap3A_426 = vector.shape_cast %swap3A_425 : vector<1x16xf32> to vector<16xf32>
          %swap3A_427 = vector.shape_cast %broadcast_in_dim3A_213 : vector<16xf32> to vector<1x16xf32>
          tpu.vector_store %arg6[%swap3A_423, %swap3A_424], %swap3A_427 {strides = array<i32>} : memref<224x224xf32, #tpu.memory_space<vmem>>, vector<1x16xf32>,
          %mul3A_428 = arith.constant 16 : i32
          %mul3A_429 = arith.muli %mul3A_428, %scan3A_193 : i32
          %add3A_430 = arith.constant 5 : i32
          %add3A_431 = arith.addi %mul3A_429, %add3A_430 : i32
          %mul3A_432 = arith.constant 16 : i32
          %mul3A_433 = arith.muli %mul3A_432, %scan3A_373 : i32
          %swap3A_434 = arith.index_cast %add3A_431 : i32 to index
          %swap3A_435 = arith.index_cast %mul3A_433 : i32 to index
          %swap3A_436 = tpu.vector_load %arg6[%swap3A_434, %swap3A_435] {strides = array<i32>} : memref<224x224xf32, #tpu.memory_space<vmem>>, vector<1x16xf32>,
          %swap3A_437 = vector.shape_cast %swap3A_436 : vector<1x16xf32> to vector<16xf32>
          %swap3A_438 = vector.shape_cast %broadcast_in_dim3A_216 : vector<16xf32> to vector<1x16xf32>
          tpu.vector_store %arg6[%swap3A_434, %swap3A_435], %swap3A_438 {strides = array<i32>} : memref<224x224xf32, #tpu.memory_space<vmem>>, vector<1x16xf32>,
          %mul3A_439 = arith.constant 16 : i32
          %mul3A_440 = arith.muli %mul3A_439, %scan3A_193 : i32
          %add3A_441 = arith.constant 6 : i32
          %add3A_442 = arith.addi %mul3A_440, %add3A_441 : i32
          %mul3A_443 = arith.constant 16 : i32
          %mul3A_444 = arith.muli %mul3A_443, %scan3A_373 : i32
          %swap3A_445 = arith.index_cast %add3A_442 : i32 to index
          %swap3A_446 = arith.index_cast %mul3A_444 : i32 to index
          %swap3A_447 = tpu.vector_load %arg6[%swap3A_445, %swap3A_446] {strides = array<i32>} : memref<224x224xf32, #tpu.memory_space<vmem>>, vector<1x16xf32>,
          %swap3A_448 = vector.shape_cast %swap3A_447 : vector<1x16xf32> to vector<16xf32>
          %swap3A_449 = vector.shape_cast %broadcast_in_dim3A_219 : vector<16xf32> to vector<1x16xf32>
          tpu.vector_store %arg6[%swap3A_445, %swap3A_446], %swap3A_449 {strides = array<i32>} : memref<224x224xf32, #tpu.memory_space<vmem>>, vector<1x16xf32>,
          %mul3A_450 = arith.constant 16 : i32
          %mul3A_451 = arith.muli %mul3A_450, %scan3A_193 : i32
          %add3A_452 = arith.constant 7 : i32
          %add3A_453 = arith.addi %mul3A_451, %add3A_452 : i32
          %mul3A_454 = arith.constant 16 : i32
          %mul3A_455 = arith.muli %mul3A_454, %scan3A_373 : i32
          %swap3A_456 = arith.index_cast %add3A_453 : i32 to index
          %swap3A_457 = arith.index_cast %mul3A_455 : i32 to index
          %swap3A_458 = tpu.vector_load %arg6[%swap3A_456, %swap3A_457] {strides = array<i32>} : memref<224x224xf32, #tpu.memory_space<vmem>>, vector<1x16xf32>,
          %swap3A_459 = vector.shape_cast %swap3A_458 : vector<1x16xf32> to vector<16xf32>
          %swap3A_460 = vector.shape_cast %broadcast_in_dim3A_222 : vector<16xf32> to vector<1x16xf32>
          tpu.vector_store %arg6[%swap3A_456, %swap3A_457], %swap3A_460 {strides = array<i32>} : memref<224x224xf32, #tpu.memory_space<vmem>>, vector<1x16xf32>,
          %mul3A_461 = arith.constant 16 : i32
          %mul3A_462 = arith.muli %mul3A_461, %scan3A_193 : i32
          %add3A_463 = arith.constant 8 : i32
          %add3A_464 = arith.addi %mul3A_462, %add3A_463 : i32
          %mul3A_465 = arith.constant 16 : i32
          %mul3A_466 = arith.muli %mul3A_465, %scan3A_373 : i32
          %swap3A_467 = arith.index_cast %add3A_464 : i32 to index
          %swap3A_468 = arith.index_cast %mul3A_466 : i32 to index
          %swap3A_469 = tpu.vector_load %arg6[%swap3A_467, %swap3A_468] {strides = array<i32>} : memref<224x224xf32, #tpu.memory_space<vmem>>, vector<1x16xf32>,
          %swap3A_470 = vector.shape_cast %swap3A_469 : vector<1x16xf32> to vector<16xf32>
          %swap3A_471 = vector.shape_cast %broadcast_in_dim3A_225 : vector<16xf32> to vector<1x16xf32>
          tpu.vector_store %arg6[%swap3A_467, %swap3A_468], %swap3A_471 {strides = array<i32>} : memref<224x224xf32, #tpu.memory_space<vmem>>, vector<1x16xf32>,
          %mul3A_472 = arith.constant 16 : i32
          %mul3A_473 = arith.muli %mul3A_472, %scan3A_193 : i32
          %add3A_474 = arith.constant 9 : i32
          %add3A_475 = arith.addi %mul3A_473, %add3A_474 : i32
          %mul3A_476 = arith.constant 16 : i32
          %mul3A_477 = arith.muli %mul3A_476, %scan3A_373 : i32
          %swap3A_478 = arith.index_cast %add3A_475 : i32 to index
          %swap3A_479 = arith.index_cast %mul3A_477 : i32 to index
          %swap3A_480 = tpu.vector_load %arg6[%swap3A_478, %swap3A_479] {strides = array<i32>} : memref<224x224xf32, #tpu.memory_space<vmem>>, vector<1x16xf32>,
          %swap3A_481 = vector.shape_cast %swap3A_480 : vector<1x16xf32> to vector<16xf32>
          %swap3A_482 = vector.shape_cast %broadcast_in_dim3A_228 : vector<16xf32> to vector<1x16xf32>
          tpu.vector_store %arg6[%swap3A_478, %swap3A_479], %swap3A_482 {strides = array<i32>} : memref<224x224xf32, #tpu.memory_space<vmem>>, vector<1x16xf32>,
          %mul3A_483 = arith.constant 16 : i32
          %mul3A_484 = arith.muli %mul3A_483, %scan3A_193 : i32
          %add3A_485 = arith.constant 10 : i32
          %add3A_486 = arith.addi %mul3A_484, %add3A_485 : i32
          %mul3A_487 = arith.constant 16 : i32
          %mul3A_488 = arith.muli %mul3A_487, %scan3A_373 : i32
          %swap3A_489 = arith.index_cast %add3A_486 : i32 to index
          %swap3A_490 = arith.index_cast %mul3A_488 : i32 to index
          %swap3A_491 = tpu.vector_load %arg6[%swap3A_489, %swap3A_490] {strides = array<i32>} : memref<224x224xf32, #tpu.memory_space<vmem>>, vector<1x16xf32>,
          %swap3A_492 = vector.shape_cast %swap3A_491 : vector<1x16xf32> to vector<16xf32>
          %swap3A_493 = vector.shape_cast %broadcast_in_dim3A_231 : vector<16xf32> to vector<1x16xf32>
          tpu.vector_store %arg6[%swap3A_489, %swap3A_490], %swap3A_493 {strides = array<i32>} : memref<224x224xf32, #tpu.memory_space<vmem>>, vector<1x16xf32>,
          %mul3A_494 = arith.constant 16 : i32
          %mul3A_495 = arith.muli %mul3A_494, %scan3A_193 : i32
          %add3A_496 = arith.constant 11 : i32
          %add3A_497 = arith.addi %mul3A_495, %add3A_496 : i32
          %mul3A_498 = arith.constant 16 : i32
          %mul3A_499 = arith.muli %mul3A_498, %scan3A_373 : i32
          %swap3A_500 = arith.index_cast %add3A_497 : i32 to index
          %swap3A_501 = arith.index_cast %mul3A_499 : i32 to index
          %swap3A_502 = tpu.vector_load %arg6[%swap3A_500, %swap3A_501] {strides = array<i32>} : memref<224x224xf32, #tpu.memory_space<vmem>>, vector<1x16xf32>,
          %swap3A_503 = vector.shape_cast %swap3A_502 : vector<1x16xf32> to vector<16xf32>
          %swap3A_504 = vector.shape_cast %broadcast_in_dim3A_234 : vector<16xf32> to vector<1x16xf32>
          tpu.vector_store %arg6[%swap3A_500, %swap3A_501], %swap3A_504 {strides = array<i32>} : memref<224x224xf32, #tpu.memory_space<vmem>>, vector<1x16xf32>,
          %mul3A_505 = arith.constant 16 : i32
          %mul3A_506 = arith.muli %mul3A_505, %scan3A_193 : i32
          %add3A_507 = arith.constant 12 : i32
          %add3A_508 = arith.addi %mul3A_506, %add3A_507 : i32
          %mul3A_509 = arith.constant 16 : i32
          %mul3A_510 = arith.muli %mul3A_509, %scan3A_373 : i32
          %swap3A_511 = arith.index_cast %add3A_508 : i32 to index
          %swap3A_512 = arith.index_cast %mul3A_510 : i32 to index
          %swap3A_513 = tpu.vector_load %arg6[%swap3A_511, %swap3A_512] {strides = array<i32>} : memref<224x224xf32, #tpu.memory_space<vmem>>, vector<1x16xf32>,
          %swap3A_514 = vector.shape_cast %swap3A_513 : vector<1x16xf32> to vector<16xf32>
          %swap3A_515 = vector.shape_cast %broadcast_in_dim3A_237 : vector<16xf32> to vector<1x16xf32>
          tpu.vector_store %arg6[%swap3A_511, %swap3A_512], %swap3A_515 {strides = array<i32>} : memref<224x224xf32, #tpu.memory_space<vmem>>, vector<1x16xf32>,
          %mul3A_516 = arith.constant 16 : i32
          %mul3A_517 = arith.muli %mul3A_516, %scan3A_193 : i32
          %add3A_518 = arith.constant 13 : i32
          %add3A_519 = arith.addi %mul3A_517, %add3A_518 : i32
          %mul3A_520 = arith.constant 16 : i32
          %mul3A_521 = arith.muli %mul3A_520, %scan3A_373 : i32
          %swap3A_522 = arith.index_cast %add3A_519 : i32 to index
          %swap3A_523 = arith.index_cast %mul3A_521 : i32 to index
          %swap3A_524 = tpu.vector_load %arg6[%swap3A_522, %swap3A_523] {strides = array<i32>} : memref<224x224xf32, #tpu.memory_space<vmem>>, vector<1x16xf32>,
          %swap3A_525 = vector.shape_cast %swap3A_524 : vector<1x16xf32> to vector<16xf32>
          %swap3A_526 = vector.shape_cast %broadcast_in_dim3A_240 : vector<16xf32> to vector<1x16xf32>
          tpu.vector_store %arg6[%swap3A_522, %swap3A_523], %swap3A_526 {strides = array<i32>} : memref<224x224xf32, #tpu.memory_space<vmem>>, vector<1x16xf32>,
          %mul3A_527 = arith.constant 16 : i32
          %mul3A_528 = arith.muli %mul3A_527, %scan3A_193 : i32
          %add3A_529 = arith.constant 14 : i32
          %add3A_530 = arith.addi %mul3A_528, %add3A_529 : i32
          %mul3A_531 = arith.constant 16 : i32
          %mul3A_532 = arith.muli %mul3A_531, %scan3A_373 : i32
          %swap3A_533 = arith.index_cast %add3A_530 : i32 to index
          %swap3A_534 = arith.index_cast %mul3A_532 : i32 to index
          %swap3A_535 = tpu.vector_load %arg6[%swap3A_533, %swap3A_534] {strides = array<i32>} : memref<224x224xf32, #tpu.memory_space<vmem>>, vector<1x16xf32>,
          %swap3A_536 = vector.shape_cast %swap3A_535 : vector<1x16xf32> to vector<16xf32>
          %swap3A_537 = vector.shape_cast %broadcast_in_dim3A_243 : vector<16xf32> to vector<1x16xf32>
          tpu.vector_store %arg6[%swap3A_533, %swap3A_534], %swap3A_537 {strides = array<i32>} : memref<224x224xf32, #tpu.memory_space<vmem>>, vector<1x16xf32>,
          %mul3A_538 = arith.constant 16 : i32
          %mul3A_539 = arith.muli %mul3A_538, %scan3A_193 : i32
          %add3A_540 = arith.constant 15 : i32
          %add3A_541 = arith.addi %mul3A_539, %add3A_540 : i32
          %mul3A_542 = arith.constant 16 : i32
          %mul3A_543 = arith.muli %mul3A_542, %scan3A_373 : i32
          %swap3A_544 = arith.index_cast %add3A_541 : i32 to index
          %swap3A_545 = arith.index_cast %mul3A_543 : i32 to index
          %swap3A_546 = tpu.vector_load %arg6[%swap3A_544, %swap3A_545] {strides = array<i32>} : memref<224x224xf32, #tpu.memory_space<vmem>>, vector<1x16xf32>,
          %swap3A_547 = vector.shape_cast %swap3A_546 : vector<1x16xf32> to vector<16xf32>
          %swap3A_548 = vector.shape_cast %broadcast_in_dim3A_246 : vector<16xf32> to vector<1x16xf32>
          tpu.vector_store %arg6[%swap3A_544, %swap3A_545], %swap3A_548 {strides = array<i32>} : memref<224x224xf32, #tpu.memory_space<vmem>>, vector<1x16xf32>,
        }
        %scan3A_252 = arith.constant 14 : i32
        %mul3A_253 = arith.constant 16 : i32
        %mul3A_254 = arith.muli %mul3A_253, %scan3A_193 : i32
        %mul3A_255 = arith.constant 16 : i32
        %mul3A_256 = arith.muli %mul3A_255, %scan3A_193 : i32
        %dma_start3A_257 = arith.constant 0 : i32
        %dma_start3A_258 = arith.constant 0 : i32
        %dma_start3A_259 = tpu.memref_slice %arg6[%mul3A_254, %dma_start3A_258] : memref<224x224xf32, #tpu.memory_space<vmem>> -> memref<16x224xf32, #tpu.memory_space<vmem>>
        %dma_start3A_260 = arith.constant 0 : i32
        %dma_start3A_261 = tpu.memref_slice %arg4[%dma_start3A_257, %add3A, %mul3A_256, %dma_start3A_260] : memref<4x32x224x224xf32, #tpu.memory_space<hbm>> -> memref<1x1x16x224xf32, #tpu.memory_space<hbm>>
        %dma_start3A_262 = tpu.memref_squeeze %dma_start3A_261 : memref<1x1x16x224xf32, #tpu.memory_space<hbm>> -> memref<16x224xf32, #tpu.memory_space<hbm>>
        %dma_start3A_263 = arith.constant 0 : i32
        %dma_start3A_264 = tpu.memref_slice %arg4[%dma_start3A_257, %add3A, %mul3A_256, %dma_start3A_263] : memref<4x32x224x224xf32, #tpu.memory_space<hbm>> -> memref<1x1x16x224xf32, #tpu.memory_space<hbm>>
        %dma_start3A_265 = tpu.memref_squeeze %dma_start3A_264 : memref<1x1x16x224xf32, #tpu.memory_space<hbm>> -> memref<16x224xf32, #tpu.memory_space<hbm>>
        %dma_start3A_266 = arith.constant 0 : i32
        %dma_start3A_267 = tpu.memref_slice %arg6[%mul3A_254, %dma_start3A_266] : memref<224x224xf32, #tpu.memory_space<vmem>> -> memref<16x224xf32, #tpu.memory_space<vmem>>
        tpu.enqueue_dma source(%dma_start3A_267 : memref<16x224xf32, #tpu.memory_space<vmem>>) target(%dma_start3A_265 : memref<16x224xf32, #tpu.memory_space<hbm>>) target_semaphore(%arg7 : memref<!tpu.dma_semaphore, #tpu.memory_space<semaphore_mem>>)
        %mul3A_268 = arith.constant 16 : i32
        %mul3A_269 = arith.muli %mul3A_268, %scan3A_193 : i32
        %mul3A_270 = arith.constant 16 : i32
        %mul3A_271 = arith.muli %mul3A_270, %scan3A_193 : i32
        %dma_start3A_272 = arith.constant 1 : i32
        %dma_start3A_273 = arith.constant 0 : i32
        %dma_start3A_274 = tpu.memref_slice %arg6[%mul3A_269, %dma_start3A_273] : memref<224x224xf32, #tpu.memory_space<vmem>> -> memref<16x224xf32, #tpu.memory_space<vmem>>
        %dma_start3A_275 = arith.constant 0 : i32
        %dma_start3A_276 = tpu.memref_slice %arg4[%dma_start3A_272, %add3A, %mul3A_271, %dma_start3A_275] : memref<4x32x224x224xf32, #tpu.memory_space<hbm>> -> memref<1x1x16x224xf32, #tpu.memory_space<hbm>>
        %dma_start3A_277 = tpu.memref_squeeze %dma_start3A_276 : memref<1x1x16x224xf32, #tpu.memory_space<hbm>> -> memref<16x224xf32, #tpu.memory_space<hbm>>
        %dma_start3A_278 = arith.constant 0 : i32
        %dma_start3A_279 = tpu.memref_slice %arg4[%dma_start3A_272, %add3A, %mul3A_271, %dma_start3A_278] : memref<4x32x224x224xf32, #tpu.memory_space<hbm>> -> memref<1x1x16x224xf32, #tpu.memory_space<hbm>>
        %dma_start3A_280 = tpu.memref_squeeze %dma_start3A_279 : memref<1x1x16x224xf32, #tpu.memory_space<hbm>> -> memref<16x224xf32, #tpu.memory_space<hbm>>
        %dma_start3A_281 = arith.constant 0 : i32
        %dma_start3A_282 = tpu.memref_slice %arg6[%mul3A_269, %dma_start3A_281] : memref<224x224xf32, #tpu.memory_space<vmem>> -> memref<16x224xf32, #tpu.memory_space<vmem>>
        tpu.enqueue_dma source(%dma_start3A_282 : memref<16x224xf32, #tpu.memory_space<vmem>>) target(%dma_start3A_280 : memref<16x224xf32, #tpu.memory_space<hbm>>) target_semaphore(%arg7 : memref<!tpu.dma_semaphore, #tpu.memory_space<semaphore_mem>>)
        %mul3A_283 = arith.constant 16 : i32
        %mul3A_284 = arith.muli %mul3A_283, %scan3A_193 : i32
        %mul3A_285 = arith.constant 16 : i32
        %mul3A_286 = arith.muli %mul3A_285, %scan3A_193 : i32
        %dma_start3A_287 = arith.constant 2 : i32
        %dma_start3A_288 = arith.constant 0 : i32
        %dma_start3A_289 = tpu.memref_slice %arg6[%mul3A_284, %dma_start3A_288] : memref<224x224xf32, #tpu.memory_space<vmem>> -> memref<16x224xf32, #tpu.memory_space<vmem>>
        %dma_start3A_290 = arith.constant 0 : i32
        %dma_start3A_291 = tpu.memref_slice %arg4[%dma_start3A_287, %add3A, %mul3A_286, %dma_start3A_290] : memref<4x32x224x224xf32, #tpu.memory_space<hbm>> -> memref<1x1x16x224xf32, #tpu.memory_space<hbm>>
        %dma_start3A_292 = tpu.memref_squeeze %dma_start3A_291 : memref<1x1x16x224xf32, #tpu.memory_space<hbm>> -> memref<16x224xf32, #tpu.memory_space<hbm>>
        %dma_start3A_293 = arith.constant 0 : i32
        %dma_start3A_294 = tpu.memref_slice %arg4[%dma_start3A_287, %add3A, %mul3A_286, %dma_start3A_293] : memref<4x32x224x224xf32, #tpu.memory_space<hbm>> -> memref<1x1x16x224xf32, #tpu.memory_space<hbm>>
        %dma_start3A_295 = tpu.memref_squeeze %dma_start3A_294 : memref<1x1x16x224xf32, #tpu.memory_space<hbm>> -> memref<16x224xf32, #tpu.memory_space<hbm>>
        %dma_start3A_296 = arith.constant 0 : i32
        %dma_start3A_297 = tpu.memref_slice %arg6[%mul3A_284, %dma_start3A_296] : memref<224x224xf32, #tpu.memory_space<vmem>> -> memref<16x224xf32, #tpu.memory_space<vmem>>
        tpu.enqueue_dma source(%dma_start3A_297 : memref<16x224xf32, #tpu.memory_space<vmem>>) target(%dma_start3A_295 : memref<16x224xf32, #tpu.memory_space<hbm>>) target_semaphore(%arg7 : memref<!tpu.dma_semaphore, #tpu.memory_space<semaphore_mem>>)
        %mul3A_298 = arith.constant 16 : i32
        %mul3A_299 = arith.muli %mul3A_298, %scan3A_193 : i32
        %mul3A_300 = arith.constant 16 : i32
        %mul3A_301 = arith.muli %mul3A_300, %scan3A_193 : i32
        %dma_start3A_302 = arith.constant 3 : i32
        %dma_start3A_303 = arith.constant 0 : i32
        %dma_start3A_304 = tpu.memref_slice %arg6[%mul3A_299, %dma_start3A_303] : memref<224x224xf32, #tpu.memory_space<vmem>> -> memref<16x224xf32, #tpu.memory_space<vmem>>
        %dma_start3A_305 = arith.constant 0 : i32
        %dma_start3A_306 = tpu.memref_slice %arg4[%dma_start3A_302, %add3A, %mul3A_301, %dma_start3A_305] : memref<4x32x224x224xf32, #tpu.memory_space<hbm>> -> memref<1x1x16x224xf32, #tpu.memory_space<hbm>>
        %dma_start3A_307 = tpu.memref_squeeze %dma_start3A_306 : memref<1x1x16x224xf32, #tpu.memory_space<hbm>> -> memref<16x224xf32, #tpu.memory_space<hbm>>
        %dma_start3A_308 = arith.constant 0 : i32
        %dma_start3A_309 = tpu.memref_slice %arg4[%dma_start3A_302, %add3A, %mul3A_301, %dma_start3A_308] : memref<4x32x224x224xf32, #tpu.memory_space<hbm>> -> memref<1x1x16x224xf32, #tpu.memory_space<hbm>>
        %dma_start3A_310 = tpu.memref_squeeze %dma_start3A_309 : memref<1x1x16x224xf32, #tpu.memory_space<hbm>> -> memref<16x224xf32, #tpu.memory_space<hbm>>
        %dma_start3A_311 = arith.constant 0 : i32
        %dma_start3A_312 = tpu.memref_slice %arg6[%mul3A_299, %dma_start3A_311] : memref<224x224xf32, #tpu.memory_space<vmem>> -> memref<16x224xf32, #tpu.memory_space<vmem>>
        tpu.enqueue_dma source(%dma_start3A_312 : memref<16x224xf32, #tpu.memory_space<vmem>>) target(%dma_start3A_310 : memref<16x224xf32, #tpu.memory_space<hbm>>) target_semaphore(%arg7 : memref<!tpu.dma_semaphore, #tpu.memory_space<semaphore_mem>>)
        %dma_wait3A_313 = arith.constant 0 : i32
        %dma_wait3A_314 = arith.constant 0 : i32
        %dma_wait3A_315 = arith.constant 0 : i32
        %dma_wait3A_316 = tpu.memref_slice %arg6[%dma_wait3A_314, %dma_wait3A_315] : memref<224x224xf32, #tpu.memory_space<vmem>> -> memref<16x224xf32, #tpu.memory_space<vmem>>
        %dma_wait3A_317 = arith.constant 0 : i32
        %dma_wait3A_318 = arith.constant 0 : i32
        %dma_wait3A_319 = tpu.memref_slice %arg4[%dma_wait3A_313, %add3A, %dma_wait3A_317, %dma_wait3A_318] : memref<4x32x224x224xf32, #tpu.memory_space<hbm>> -> memref<1x1x16x224xf32, #tpu.memory_space<hbm>>
        %dma_wait3A_320 = tpu.memref_squeeze %dma_wait3A_319 : memref<1x1x16x224xf32, #tpu.memory_space<hbm>> -> memref<16x224xf32, #tpu.memory_space<hbm>>
        %dma_wait3A_321 = arith.constant 0 : i32
        %dma_wait3A_322 = arith.constant 0 : i32
        %dma_wait3A_323 = tpu.memref_slice %arg4[%dma_wait3A_313, %add3A, %dma_wait3A_321, %dma_wait3A_322] : memref<4x32x224x224xf32, #tpu.memory_space<hbm>> -> memref<1x1x16x224xf32, #tpu.memory_space<hbm>>
        %dma_wait3A_324 = tpu.memref_squeeze %dma_wait3A_323 : memref<1x1x16x224xf32, #tpu.memory_space<hbm>> -> memref<16x224xf32, #tpu.memory_space<hbm>>
        %dma_wait3A_325 = arith.constant 0 : i32
        %dma_wait3A_326 = arith.constant 0 : i32
        %dma_wait3A_327 = tpu.memref_slice %arg6[%dma_wait3A_325, %dma_wait3A_326] : memref<224x224xf32, #tpu.memory_space<vmem>> -> memref<16x224xf32, #tpu.memory_space<vmem>>
        tpu.wait_dma2 semaphore(%arg7 : memref<!tpu.dma_semaphore, #tpu.memory_space<semaphore_mem>>) src(%dma_wait3A_327 : memref<16x224xf32, #tpu.memory_space<vmem>>) dst(%dma_wait3A_324 : memref<16x224xf32, #tpu.memory_space<hbm>>)
        %dma_wait3A_328 = arith.constant 1 : i32
        %dma_wait3A_329 = arith.constant 0 : i32
        %dma_wait3A_330 = arith.constant 0 : i32
        %dma_wait3A_331 = tpu.memref_slice %arg6[%dma_wait3A_329, %dma_wait3A_330] : memref<224x224xf32, #tpu.memory_space<vmem>> -> memref<16x224xf32, #tpu.memory_space<vmem>>
        %dma_wait3A_332 = arith.constant 0 : i32
        %dma_wait3A_333 = arith.constant 0 : i32
        %dma_wait3A_334 = tpu.memref_slice %arg4[%dma_wait3A_328, %add3A, %dma_wait3A_332, %dma_wait3A_333] : memref<4x32x224x224xf32, #tpu.memory_space<hbm>> -> memref<1x1x16x224xf32, #tpu.memory_space<hbm>>
        %dma_wait3A_335 = tpu.memref_squeeze %dma_wait3A_334 : memref<1x1x16x224xf32, #tpu.memory_space<hbm>> -> memref<16x224xf32, #tpu.memory_space<hbm>>
        %dma_wait3A_336 = arith.constant 0 : i32
        %dma_wait3A_337 = arith.constant 0 : i32
        %dma_wait3A_338 = tpu.memref_slice %arg4[%dma_wait3A_328, %add3A, %dma_wait3A_336, %dma_wait3A_337] : memref<4x32x224x224xf32, #tpu.memory_space<hbm>> -> memref<1x1x16x224xf32, #tpu.memory_space<hbm>>
        %dma_wait3A_339 = tpu.memref_squeeze %dma_wait3A_338 : memref<1x1x16x224xf32, #tpu.memory_space<hbm>> -> memref<16x224xf32, #tpu.memory_space<hbm>>
        %dma_wait3A_340 = arith.constant 0 : i32
        %dma_wait3A_341 = arith.constant 0 : i32
        %dma_wait3A_342 = tpu.memref_slice %arg6[%dma_wait3A_340, %dma_wait3A_341] : memref<224x224xf32, #tpu.memory_space<vmem>> -> memref<16x224xf32, #tpu.memory_space<vmem>>
        tpu.wait_dma2 semaphore(%arg7 : memref<!tpu.dma_semaphore, #tpu.memory_space<semaphore_mem>>) src(%dma_wait3A_342 : memref<16x224xf32, #tpu.memory_space<vmem>>) dst(%dma_wait3A_339 : memref<16x224xf32, #tpu.memory_space<hbm>>)
        %dma_wait3A_343 = arith.constant 2 : i32
        %dma_wait3A_344 = arith.constant 0 : i32
        %dma_wait3A_345 = arith.constant 0 : i32
        %dma_wait3A_346 = tpu.memref_slice %arg6[%dma_wait3A_344, %dma_wait3A_345] : memref<224x224xf32, #tpu.memory_space<vmem>> -> memref<16x224xf32, #tpu.memory_space<vmem>>
        %dma_wait3A_347 = arith.constant 0 : i32
        %dma_wait3A_348 = arith.constant 0 : i32
        %dma_wait3A_349 = tpu.memref_slice %arg4[%dma_wait3A_343, %add3A, %dma_wait3A_347, %dma_wait3A_348] : memref<4x32x224x224xf32, #tpu.memory_space<hbm>> -> memref<1x1x16x224xf32, #tpu.memory_space<hbm>>
        %dma_wait3A_350 = tpu.memref_squeeze %dma_wait3A_349 : memref<1x1x16x224xf32, #tpu.memory_space<hbm>> -> memref<16x224xf32, #tpu.memory_space<hbm>>
        %dma_wait3A_351 = arith.constant 0 : i32
        %dma_wait3A_352 = arith.constant 0 : i32
        %dma_wait3A_353 = tpu.memref_slice %arg4[%dma_wait3A_343, %add3A, %dma_wait3A_351, %dma_wait3A_352] : memref<4x32x224x224xf32, #tpu.memory_space<hbm>> -> memref<1x1x16x224xf32, #tpu.memory_space<hbm>>
        %dma_wait3A_354 = tpu.memref_squeeze %dma_wait3A_353 : memref<1x1x16x224xf32, #tpu.memory_space<hbm>> -> memref<16x224xf32, #tpu.memory_space<hbm>>
        %dma_wait3A_355 = arith.constant 0 : i32
        %dma_wait3A_356 = arith.constant 0 : i32
        %dma_wait3A_357 = tpu.memref_slice %arg6[%dma_wait3A_355, %dma_wait3A_356] : memref<224x224xf32, #tpu.memory_space<vmem>> -> memref<16x224xf32, #tpu.memory_space<vmem>>
        tpu.wait_dma2 semaphore(%arg7 : memref<!tpu.dma_semaphore, #tpu.memory_space<semaphore_mem>>) src(%dma_wait3A_357 : memref<16x224xf32, #tpu.memory_space<vmem>>) dst(%dma_wait3A_354 : memref<16x224xf32, #tpu.memory_space<hbm>>)
        %dma_wait3A_358 = arith.constant 3 : i32
        %dma_wait3A_359 = arith.constant 0 : i32
        %dma_wait3A_360 = arith.constant 0 : i32
        %dma_wait3A_361 = tpu.memref_slice %arg6[%dma_wait3A_359, %dma_wait3A_360] : memref<224x224xf32, #tpu.memory_space<vmem>> -> memref<16x224xf32, #tpu.memory_space<vmem>>
        %dma_wait3A_362 = arith.constant 0 : i32
        %dma_wait3A_363 = arith.constant 0 : i32
        %dma_wait3A_364 = tpu.memref_slice %arg4[%dma_wait3A_358, %add3A, %dma_wait3A_362, %dma_wait3A_363] : memref<4x32x224x224xf32, #tpu.memory_space<hbm>> -> memref<1x1x16x224xf32, #tpu.memory_space<hbm>>
        %dma_wait3A_365 = tpu.memref_squeeze %dma_wait3A_364 : memref<1x1x16x224xf32, #tpu.memory_space<hbm>> -> memref<16x224xf32, #tpu.memory_space<hbm>>
        %dma_wait3A_366 = arith.constant 0 : i32
        %dma_wait3A_367 = arith.constant 0 : i32
        %dma_wait3A_368 = tpu.memref_slice %arg4[%dma_wait3A_358, %add3A, %dma_wait3A_366, %dma_wait3A_367] : memref<4x32x224x224xf32, #tpu.memory_space<hbm>> -> memref<1x1x16x224xf32, #tpu.memory_space<hbm>>
        %dma_wait3A_369 = tpu.memref_squeeze %dma_wait3A_368 : memref<1x1x16x224xf32, #tpu.memory_space<hbm>> -> memref<16x224xf32, #tpu.memory_space<hbm>>
        %dma_wait3A_370 = arith.constant 0 : i32
        %dma_wait3A_371 = arith.constant 0 : i32
        %dma_wait3A_372 = tpu.memref_slice %arg6[%dma_wait3A_370, %dma_wait3A_371] : memref<224x224xf32, #tpu.memory_space<vmem>> -> memref<16x224xf32, #tpu.memory_space<vmem>>
        tpu.wait_dma2 semaphore(%arg7 : memref<!tpu.dma_semaphore, #tpu.memory_space<semaphore_mem>>) src(%dma_wait3A_372 : memref<16x224xf32, #tpu.memory_space<vmem>>) dst(%dma_wait3A_369 : memref<16x224xf32, #tpu.memory_space<hbm>>)
      }
      %scan3A_133 = arith.constant 13 : i32
      %dma_wait3A = arith.constant 0 : i32
      %dma_wait3A_134 = arith.constant 0 : i32
      %dma_wait3A_135 = arith.constant 0 : i32
      %dma_wait3A_136 = tpu.memref_slice %arg6[%dma_wait3A_134, %dma_wait3A_135] : memref<224x224xf32, #tpu.memory_space<vmem>> -> memref<16x224xf32, #tpu.memory_space<vmem>>
      %dma_wait3A_137 = arith.constant 0 : i32
      %dma_wait3A_138 = arith.constant 0 : i32
      %dma_wait3A_139 = tpu.memref_slice %arg4[%dma_wait3A, %add3A, %dma_wait3A_137, %dma_wait3A_138] : memref<4x32x224x224xf32, #tpu.memory_space<hbm>> -> memref<1x1x16x224xf32, #tpu.memory_space<hbm>>
      %dma_wait3A_140 = tpu.memref_squeeze %dma_wait3A_139 : memref<1x1x16x224xf32, #tpu.memory_space<hbm>> -> memref<16x224xf32, #tpu.memory_space<hbm>>
      %dma_wait3A_141 = arith.constant 0 : i32
      %dma_wait3A_142 = arith.constant 0 : i32
      %dma_wait3A_143 = tpu.memref_slice %arg4[%dma_wait3A, %add3A, %dma_wait3A_141, %dma_wait3A_142] : memref<4x32x224x224xf32, #tpu.memory_space<hbm>> -> memref<1x1x16x224xf32, #tpu.memory_space<hbm>>
      %dma_wait3A_144 = tpu.memref_squeeze %dma_wait3A_143 : memref<1x1x16x224xf32, #tpu.memory_space<hbm>> -> memref<16x224xf32, #tpu.memory_space<hbm>>
      %dma_wait3A_145 = arith.constant 0 : i32
      %dma_wait3A_146 = arith.constant 0 : i32
      %dma_wait3A_147 = tpu.memref_slice %arg6[%dma_wait3A_145, %dma_wait3A_146] : memref<224x224xf32, #tpu.memory_space<vmem>> -> memref<16x224xf32, #tpu.memory_space<vmem>>
      tpu.wait_dma2 semaphore(%arg7 : memref<!tpu.dma_semaphore, #tpu.memory_space<semaphore_mem>>) src(%dma_wait3A_147 : memref<16x224xf32, #tpu.memory_space<vmem>>) dst(%dma_wait3A_144 : memref<16x224xf32, #tpu.memory_space<hbm>>)
      %dma_wait3A_148 = arith.constant 1 : i32
      %dma_wait3A_149 = arith.constant 0 : i32
      %dma_wait3A_150 = arith.constant 0 : i32
      %dma_wait3A_151 = tpu.memref_slice %arg6[%dma_wait3A_149, %dma_wait3A_150] : memref<224x224xf32, #tpu.memory_space<vmem>> -> memref<16x224xf32, #tpu.memory_space<vmem>>
      %dma_wait3A_152 = arith.constant 0 : i32
      %dma_wait3A_153 = arith.constant 0 : i32
      %dma_wait3A_154 = tpu.memref_slice %arg4[%dma_wait3A_148, %add3A, %dma_wait3A_152, %dma_wait3A_153] : memref<4x32x224x224xf32, #tpu.memory_space<hbm>> -> memref<1x1x16x224xf32, #tpu.memory_space<hbm>>
      %dma_wait3A_155 = tpu.memref_squeeze %dma_wait3A_154 : memref<1x1x16x224xf32, #tpu.memory_space<hbm>> -> memref<16x224xf32, #tpu.memory_space<hbm>>
      %dma_wait3A_156 = arith.constant 0 : i32
      %dma_wait3A_157 = arith.constant 0 : i32
      %dma_wait3A_158 = tpu.memref_slice %arg4[%dma_wait3A_148, %add3A, %dma_wait3A_156, %dma_wait3A_157] : memref<4x32x224x224xf32, #tpu.memory_space<hbm>> -> memref<1x1x16x224xf32, #tpu.memory_space<hbm>>
      %dma_wait3A_159 = tpu.memref_squeeze %dma_wait3A_158 : memref<1x1x16x224xf32, #tpu.memory_space<hbm>> -> memref<16x224xf32, #tpu.memory_space<hbm>>
      %dma_wait3A_160 = arith.constant 0 : i32
      %dma_wait3A_161 = arith.constant 0 : i32
      %dma_wait3A_162 = tpu.memref_slice %arg6[%dma_wait3A_160, %dma_wait3A_161] : memref<224x224xf32, #tpu.memory_space<vmem>> -> memref<16x224xf32, #tpu.memory_space<vmem>>
      tpu.wait_dma2 semaphore(%arg7 : memref<!tpu.dma_semaphore, #tpu.memory_space<semaphore_mem>>) src(%dma_wait3A_162 : memref<16x224xf32, #tpu.memory_space<vmem>>) dst(%dma_wait3A_159 : memref<16x224xf32, #tpu.memory_space<hbm>>)
      %dma_wait3A_163 = arith.constant 2 : i32
      %dma_wait3A_164 = arith.constant 0 : i32
      %dma_wait3A_165 = arith.constant 0 : i32
      %dma_wait3A_166 = tpu.memref_slice %arg6[%dma_wait3A_164, %dma_wait3A_165] : memref<224x224xf32, #tpu.memory_space<vmem>> -> memref<16x224xf32, #tpu.memory_space<vmem>>
      %dma_wait3A_167 = arith.constant 0 : i32
      %dma_wait3A_168 = arith.constant 0 : i32
      %dma_wait3A_169 = tpu.memref_slice %arg4[%dma_wait3A_163, %add3A, %dma_wait3A_167, %dma_wait3A_168] : memref<4x32x224x224xf32, #tpu.memory_space<hbm>> -> memref<1x1x16x224xf32, #tpu.memory_space<hbm>>
      %dma_wait3A_170 = tpu.memref_squeeze %dma_wait3A_169 : memref<1x1x16x224xf32, #tpu.memory_space<hbm>> -> memref<16x224xf32, #tpu.memory_space<hbm>>
      %dma_wait3A_171 = arith.constant 0 : i32
      %dma_wait3A_172 = arith.constant 0 : i32
      %dma_wait3A_173 = tpu.memref_slice %arg4[%dma_wait3A_163, %add3A, %dma_wait3A_171, %dma_wait3A_172] : memref<4x32x224x224xf32, #tpu.memory_space<hbm>> -> memref<1x1x16x224xf32, #tpu.memory_space<hbm>>
      %dma_wait3A_174 = tpu.memref_squeeze %dma_wait3A_173 : memref<1x1x16x224xf32, #tpu.memory_space<hbm>> -> memref<16x224xf32, #tpu.memory_space<hbm>>
      %dma_wait3A_175 = arith.constant 0 : i32
      %dma_wait3A_176 = arith.constant 0 : i32
      %dma_wait3A_177 = tpu.memref_slice %arg6[%dma_wait3A_175, %dma_wait3A_176] : memref<224x224xf32, #tpu.memory_space<vmem>> -> memref<16x224xf32, #tpu.memory_space<vmem>>
      tpu.wait_dma2 semaphore(%arg7 : memref<!tpu.dma_semaphore, #tpu.memory_space<semaphore_mem>>) src(%dma_wait3A_177 : memref<16x224xf32, #tpu.memory_space<vmem>>) dst(%dma_wait3A_174 : memref<16x224xf32, #tpu.memory_space<hbm>>)
      %dma_wait3A_178 = arith.constant 3 : i32
      %dma_wait3A_179 = arith.constant 0 : i32
      %dma_wait3A_180 = arith.constant 0 : i32
      %dma_wait3A_181 = tpu.memref_slice %arg6[%dma_wait3A_179, %dma_wait3A_180] : memref<224x224xf32, #tpu.memory_space<vmem>> -> memref<16x224xf32, #tpu.memory_space<vmem>>
      %dma_wait3A_182 = arith.constant 0 : i32
      %dma_wait3A_183 = arith.constant 0 : i32
      %dma_wait3A_184 = tpu.memref_slice %arg4[%dma_wait3A_178, %add3A, %dma_wait3A_182, %dma_wait3A_183] : memref<4x32x224x224xf32, #tpu.memory_space<hbm>> -> memref<1x1x16x224xf32, #tpu.memory_space<hbm>>
      %dma_wait3A_185 = tpu.memref_squeeze %dma_wait3A_184 : memref<1x1x16x224xf32, #tpu.memory_space<hbm>> -> memref<16x224xf32, #tpu.memory_space<hbm>>
      %dma_wait3A_186 = arith.constant 0 : i32
      %dma_wait3A_187 = arith.constant 0 : i32
      %dma_wait3A_188 = tpu.memref_slice %arg4[%dma_wait3A_178, %add3A, %dma_wait3A_186, %dma_wait3A_187] : memref<4x32x224x224xf32, #tpu.memory_space<hbm>> -> memref<1x1x16x224xf32, #tpu.memory_space<hbm>>
      %dma_wait3A_189 = tpu.memref_squeeze %dma_wait3A_188 : memref<1x1x16x224xf32, #tpu.memory_space<hbm>> -> memref<16x224xf32, #tpu.memory_space<hbm>>
      %dma_wait3A_190 = arith.constant 0 : i32
      %dma_wait3A_191 = arith.constant 0 : i32
      %dma_wait3A_192 = tpu.memref_slice %arg6[%dma_wait3A_190, %dma_wait3A_191] : memref<224x224xf32, #tpu.memory_space<vmem>> -> memref<16x224xf32, #tpu.memory_space<vmem>>
      tpu.wait_dma2 semaphore(%arg7 : memref<!tpu.dma_semaphore, #tpu.memory_space<semaphore_mem>>) src(%dma_wait3A_192 : memref<16x224xf32, #tpu.memory_space<vmem>>) dst(%dma_wait3A_189 : memref<16x224xf32, #tpu.memory_space<hbm>>)
    } else {
    }
    return
  }
}

</mosaic_0001>

<sc_bundles>
// kernel: kernel.3.cloned.1.call-start
scs
__scs_entry_jumppad:
0x0: {  	(pc) =	sbr.rel $0x88, $3  }
0x1: {  	(tag) =	ssettag $0x0;
	lr =	simm.s32 $0x1  }
0x2: {  	[smem:$0x3F9F] =	sst lr;
	_ =	strace $0xD0000000  }
0x3: {  	_ = 	snop  }
0x4: {  	_ = 	snop  }
0x5: {  	_ = 	snop  }
0x6: {  	_ = 	snop  }
0x7: {  	_ = 	snop  }
__scs_overlays_trampoline_lowered:
0x8: {  	[smem:$0x3FAE] =	sst s0  }
0x9: {  	[smem:$0x3FAF] =	sst s1  }
0xa: {  	[smem:$0x3FB0] =	sst s2  }
0xb: {  	[smem:$0x3FB1] =	sst s3  }
0xc: {  	[smem:$0x3FB2] =	sst s4  }
0xd: {  	[smem:$0x3FB3] =	sst s5  }
0xe: {  	[smem:$0x3FB4] =	sst s6  }
0xf: {  	[smem:$0x3FB5] =	sst s7  }
0x10: {  	[smem:$0x3FB6] =	sst s8  }
0x11: {  	[smem:$0x3FB7] =	sst s9;
	s0 =	simm.s32 @!p0 $0x0  }
0x12: {  	s1 =	sld [smem:$0x3F9D];
	s0 =	simm.s32 @p0 $0x1  }
0x13: {  	[smem:$0x3FB8] =	sst s0;
	s0 =	simm.s32 @!p1 $0x0  }
0x14: {  	s2 =	sld [smem:$0x3F9C];
	s0 =	simm.s32 @p1 $0x1  }
0x15: {  	[smem:$0x3FB9] =	sst s0;
	s0 =	simm.s32 @!p2 $0x0  }
0x16: {  	s3 =	sld [smem:$0x3FDB];
	s0 =	simm.s32 @p2 $0x1  }
0x17: {  	s4 =	simm.s32 $0x1BF5;
	[smem:$0x3FBB] =	sst s0  }
0x18: {  	s0 =	sld [smem:$0x3F9E];
	_ =	swait.ge [sflag:s4], $0x0  }
0x19: {  	s7 =	sld [smem:$0x3F9F]  }
0x1a: {  	s8 =	sadd.s32 $0xFFFFE003, lr  }
0x1b: {  	s9 =	sadd.s32 $0xFFFFFEF7, lr;
	s5 =	simm.s32 $0xFFFFFFFF;
	p2 =	slt.u32 s8, $0xFFFFF086  }
0x1c: {  	p1 =	slt.u32 s9, $0xF7A;
	s5 =	simm.s32 @!p2 $0x0  }
0x1d: {  	s5 =	simm.s32 @p1 $0x1;
	p0 =	seq.s32 s7, s2  }
0x1e: {  	s7 =	smul.u32 @!p0 $0xF7A, s2;
	p2 =	seq.s32 @!p0 s5, $0x0  }
0x1f: {  	s9 =	smul.u32 $0xF7A, s1;
	s8 =	simm.s32 @!p0 $0x1BF5;
	p2 =	por !p2, p0  }
0x20: {  	[sflag:s8] =	ssyncset.s32 @!p0 $0xFFFFF086;
	s6 =	sadd.s32 @!p0 s3, s7;
	s7 =	simm.s32 @!p0 $0x108  }
0x21: {  	s3 =	sadd.s32 s3, s9;
	s6 =	sadd.s32 @!p0 $0x88, s6;
	s7 =	simm.s32 @p2 $0x1082  }
0x22: {  	[simem:s7], [sflag:s8] =	dma.local @!p0 [hbm:s6], $0xF7A  }
0x23: {  	s9 =	sor.u32 $0xD0000000, s2;
	s6 =	simm.s32 $0x108;
	_ =	swait.ge @!p0 [sflag:s8], $0x0  }
0x24: {  	s3 =	sadd.s32 $0x88, s3;
	s6 =	simm.s32 @!p1 $0x1082;
	[sflag:s4] =	ssyncset.s32 $0xFFFFF086  }
0x25: {  	[simem:s6], [sflag:s4] =	dma.local [hbm:s3], $0xF7A  }
0x26: {  	[smem:$0x3F9F] =	sst s1;
	(tag) =	ssettag s2;
	_ =	strace s9  }
0x27: {  	s1 =	sld [smem:$0x3FAF]  }
0x28: {  	s2 =	sld [smem:$0x3FB0]  }
0x29: {  	s4 =	sld [smem:$0x3FB2]  }
0x2a: {  	p0 =	seq.s32 s5, $0x0;
	s5 =	sld [smem:$0x3FB3]  }
0x2b: {  	s6 =	sld [smem:$0x3FB4]  }
0x2c: {  	s7 =	sld [smem:$0x3FB5]  }
0x2d: {  	s3 =	simm.s32 $0x108;
	s8 =	sld [smem:$0x3FB6]  }
0x2e: {  	s3 =	simm.s32 @!p0 $0x1082;
	s9 =	sld [smem:$0x3FB7]  }
0x2f: {  	lr =	sadd.s32 s0, s3;
	s0 =	sld [smem:$0x3FAE]  }
0x30: {  	s3 =	sld [smem:$0x3FB1]  }
0x31: {  	[smem:$0x3FBA] =	sst s10  }
0x32: {  	s10 =	sld [smem:$0x3FB8];
	_ =	sdelay $0x3  }
0x33: {  	p0 =	seq.s32 s10, $0x1;
	s10 =	sld [smem:$0x3FBA];
	_ =	sdelay $0x3  }
0x34: {  	[smem:$0x3FBA] =	sst s10  }
0x35: {  	s10 =	sld [smem:$0x3FB9];
	_ =	sdelay $0x3  }
0x36: {  	p1 =	seq.s32 s10, $0x1;
	s10 =	sld [smem:$0x3FBA];
	_ =	sdelay $0x3  }
0x37: {  	[smem:$0x3FBA] =	sst s10  }
0x38: {  	s10 =	sld [smem:$0x3FBB]  }
0x39: {  	_ = 	snop;
	(pc) =	sbr.ind lr, $3  }
0x3a: {  	_ = 	snop  }
0x3b: {  	_ = 	snop  }
0x3c: {  	p2 =	seq.s32 s10, $0x1;
	s10 =	sld [smem:$0x3FBA]  }
0x3d: {  	_ =	shalt  }
0x3e: {  	_ =	shalt  }
0x3f: {  	_ =	shalt  }
0x40: {  	_ =	shalt  }
0x41: {  	_ =	shalt  }
0x42: {  	_ =	shalt  }
0x43: {  	_ =	shalt  }
0x44: {  	_ =	shalt  }
0x45: {  	_ =	shalt  }
0x46: {  	_ =	shalt  }
0x47: {  	_ =	shalt  }
0x48: {  	_ =	shalt  }
0x49: {  	_ =	shalt  }
0x4a: {  	_ =	shalt  }
0x4b: {  	_ =	shalt  }
0x4c: {  	_ =	shalt  }
0x4d: {  	_ =	shalt  }
0x4e: {  	_ =	shalt  }
0x4f: {  	_ =	shalt  }
0x50: {  	_ =	shalt  }
0x51: {  	_ =	shalt  }
0x52: {  	_ =	shalt  }
0x53: {  	_ =	shalt  }
0x54: {  	_ =	shalt  }
0x55: {  	_ =	shalt  }
0x56: {  	_ =	shalt  }
0x57: {  	_ =	shalt  }
0x58: {  	_ =	shalt  }
0x59: {  	_ =	shalt  }
0x5a: {  	_ =	shalt  }
0x5b: {  	_ =	shalt  }
0x5c: {  	_ =	shalt  }
0x5d: {  	_ =	shalt  }
0x5e: {  	_ =	shalt  }
0x5f: {  	_ =	shalt  }
0x60: {  	_ =	shalt  }
0x61: {  	_ =	shalt  }
0x62: {  	_ =	shalt  }
0x63: {  	_ =	shalt  }
0x64: {  	_ =	shalt  }
0x65: {  	_ =	shalt  }
0x66: {  	_ =	shalt  }
0x67: {  	_ =	shalt  }
0x68: {  	_ =	shalt  }
0x69: {  	_ =	shalt  }
0x6a: {  	_ =	shalt  }
0x6b: {  	_ =	shalt  }
0x6c: {  	_ =	shalt  }
0x6d: {  	_ =	shalt  }
0x6e: {  	_ =	shalt  }
0x6f: {  	_ =	shalt  }
0x70: {  	_ =	shalt  }
0x71: {  	_ =	shalt  }
0x72: {  	_ =	shalt  }
0x73: {  	_ =	shalt  }
0x74: {  	_ =	shalt  }
0x75: {  	_ =	shalt  }
0x76: {  	_ =	shalt  }
0x77: {  	_ =	shalt  }
0x78: {  	_ =	shalt  }
0x79: {  	_ =	shalt  }
0x7a: {  	_ =	shalt  }
0x7b: {  	_ =	shalt  }
0x7c: {  	_ =	shalt  }
0x7d: {  	_ =	shalt  }
0x7e: {  	_ =	shalt  }
0x7f: {  	_ =	shalt  }
0x80: {  	_ =	shalt  }
0x81: {  	_ =	shalt  }
0x82: {  	_ =	shalt  }
0x83: {  	_ =	shalt  }
0x84: {  	_ =	shalt  }
0x85: {  	_ =	shalt  }
0x86: {  	_ =	shalt  }
0x87: {  	_ =	shalt  }
.Lfunc_end0:
.L_simem_size_0:
called_computation_lowered:
.L_overlay_start_0:
0x88: {  	s2 =	sld [smem:$0x3FD9]  }
0x89: {  	s3 =	sld [smem:$0x3FFE];
	_ =	sdelay $0x1  }
0x8a: {  	s1 =	srdreg.scid  }
0x8b: {  	s0 =	sand.u32 $0x1, s1  }
0x8c: {  	s18 =	sshll.u32 s0, $0xA;
	s2 =	sadd.s32 s3, s2  }
0x8d: {  	s2 =	sadd.s32 s2, s18  }
0x8e: {  	[smem:$0x3FC6] =	sst s2  }
0x8f: {  	_ = 	snop  }
0x90: {  	s2 =	sld [smem:$0x3FC9]  }
0x91: {  	s19 =	sld [smem:$0x3FC8]  }
0x92: {  	s4 =	sld [smem:$0x3FD0];
	(tm) =	ssettm $0x1  }
0x93: {  	s5 =	sld [smem:$0x3FFB];
	_ =	sdelay $0x3  }
0x94: {  	_ =	strace s5  }
0x95: {  	s5 =	sld [smem:$0x3FFC];
	_ =	sdelay $0x3  }
0x96: {  	_ =	strace s5  }
0x97: {  	s5 =	sld [smem:$0x3FFD];
	_ =	sdelay $0x3  }
0x98: {  	_ =	strace s5  }
0x99: {  	_ =	strace $0x8FFFFFFF  }
0x9a: {  	s20 =	sld [smem:$0x3FDB];
	_ =	sdelay $0x1  }
0x9b: {  	s6 =	simm.s32 $_scs_section_size  }
0x9c: {  	s7 =	simm.s32 $_size__tile_overlayer_lowered;
	s8 =	simm.s32 $_tile_overlayer_lowered  }
0x9d: {  	s23 =	simm.s32 $0x1BFF;
	s22 =	sshll.u32 s8, $0x1;
	s5 =	sadd.s32 s6, s20  }
0x9e: {  	s9 =	simm.s32 $0x0;
	s21 =	sshll.u32 s7, $0x1;
	s7 =	sadd.s32 s22, s5  }
0x9f: {  	[timem:s9], [sflag:s23] =	dma.local [hbm:s7], s21  }
0xa0: {  	_ =	swait.ge [sflag:s23], s21  }
0xa1: {  	s6 =	ssub.s32 $0x0, s21;
	[sflag:s23] =	ssyncset.done $0x0  }
0xa2: {  	[sflag:s23] =	ssyncadd.s32 s6;
	_ =	sdelay $0x1  }
0xa3: {  	s24 =	simm.s32 $0x1B8B  }
0xa4: {  	_ =	swait.ge [sflag:s24], $0x1  }
0xa5: {  	[sflag:s24] =	ssyncset.done $0x0  }
0xa6: {  	s25 =	simm.s32 $0x1B8E;
	[sflag:s24] =	ssyncadd.s32 $0xFFFFFFFF  }
0xa7: {  	s26 =	simm.s32 $execute0_lowered;
	[smem:$0x3FD2] =	sst s25  }
0xa8: {  	s6 =	sshll.u32 s26, $0x1;
	_ =	strace $0x80000046;
	[dreg:$0x1] =	wrdreg $0xFFFFFFFF  }
0xa9: {  	s28 =	simm.s32 $_size_execute0_lowered;
	s5 =	sadd.s32 s5, s6;
	[dreg:$0x0] =	wrdreg $0x0  }
0xaa: {  	s6 =	sshll.u32 s28, $0x1;
	[dreg:$0x2] =	wrdreg s5  }
0xab: {  	[dreg:$0x3] =	wrdreg s6  }
0xac: {  	[dreg:$0x4] =	wrdreg $0xC0  }
0xad: {  	_ =	task [dreg:s9], $0x5FFFF  }
0xae: {  	[dreg:$0x1] =	wrdreg $0xFFFFFFFF  }
0xaf: {  	[dreg:$0x0] =	wrdreg $0x60  }
0xb0: {  	[dreg:$0x2] =	wrdreg s2  }
0xb1: {  	[dreg:$0x3] =	wrdreg s19  }
0xb2: {  	[dreg:$0x4] =	wrdreg s4  }
0xb3: {  	[dreg:$0x5] =	wrdreg $0x9  }
0xb4: {  	_ =	task.clear_ibuf [dreg:s9], $0x6FFFF;
	_ =	strace $0x90000046  }
0xb5: {  	s29 =	simm.s32 $0x9;
	_ =	strace $0x80000048  }
0xb6: {  	_ =	swait.ge [sflag:s29], $0x1  }
0xb7: {  	[sflag:s29] =	ssyncadd.s32 $0xFFFFFFFF  }
0xb8: {  	_ =	strace $0x90000048  }
0xb9: {  	_ =	sfence  }
0xba: {  	s30 =	sld [smem:$0x0];
	_ =	sdelay $0x2  }
0xbb: {  	s31 =	sshll.u32 s1, $0xD;
	s1 =	sshrl.u32 s1, $0x2  }
0xbc: {  	s3 =	sand.u32 $0x4000, s31;
	s1 =	sadd.s32 s1, s30  }
0xbd: {  	s0 =	sor.u32 s3, s0;
	s1 =	sshll.u32 s1, $0x11  }
0xbe: {  	s0 =	sor.u32 s1, s0  }
0xbf: {  	s0 =	sadd.s32 $0x8F2B, s0  }
0xc0: {  	[sflag:s0] =	ssyncadd.remote.s32 $0x1  }
0xc1: {  	_ =	sfence.sel $0xFFFF  }
0xc2: {  	[dreg:$0x0] =	wrdreg $0xFFFFFFFF;
	(pc) =	sbr.abs _section_cstart, $3  }
0xc3: {  	[dreg:$0x1] =	wrdreg $0xFFFFFFFF  }
0xc4: {  	_ =	task.clear_ibuf [dreg:s9], $0x2FFFF;
	_ =	strace $0x9FFFFFFF  }
0xc5: {  	(tm) =	ssettm $0x7FFFFFFF  }
tec
execute0_lowered:
.L_overlay_start_1:
0x0: {  	(tag) =	ssettag $0x1  }
0x1: {  	s9 =	rddreg [dreg:$0x0]  }
0x2: {  	s5 =	rddreg [dreg:$0x1]  }
0x3: {  	s2 =	rddreg [dreg:$0x2];
	s3 =	simm.s32 $0x0  }
0x4: {  	s4 =	srdreg.scid;
	s1 =	stileid.u32;
	s17 =	simm.s32 $0x400  }
0x5: {  	s18 =	simm.s32 $0x2;
	s19 =	simm.s32 $0x100;
	s20 =	simm.s32 $0x1  }
0x6: {  	[smem:$0x7FF] =	sst s3;
	s6 =	sand.u32 $0x1, s4;
	s21 =	sshll.u32 s1, $0x1  }
0x7: {  	s11 =	sshll.u32 s1, $0x6;
	s23 =	smul.u32 $0x1C000, s1;
	p0 =	sgt.u32 s1, $0x7  }
0x8: {  	_ =	strace $0x80000047;
	s7 =	ssub.s32 $0x2, s6;
	s8 =	sor.u32 s6, s21  }
0x9: {  	s22 =	sand.u32 $0x100, s11;
	s13 =	smul.u32 $0xE000, s6;
	s21 =	simm.s32 $0x0  }
0xa: {  	s10 =	sshrl.u32 s7, $0x1;
	s4 =	smul.u32 $0xE000, s8;
	s24 =	sshll.u32 s8, $0x4  }
0xb: {  	s26 =	sadd.s32 s5, s22;
	s12 =	ssub.s32 s7, s10;
	s14 =	sand.u32 $0x70, s24  }
0xc: {  	s13 =	sadd.s32 s13, s23;
	s10 =	sadd.s32 s9, s22;
	s25 =	sshrl.u32 s4, $0x3  }
0xd: {  	s6 =	sadd.s32 s14, s26;
	s11 =	sor.u32 $0x1000, s13;
	s10 =	sadd.s32 s14, s10  }
0xe: {  	s29 =	sadd.s32 $0x1C1000, s13;
	s15 =	sadd.s32 $0x381000, s13;
	s16 =	sadd.s32 $0x541000, s13  }
.Ltmp0:
0xf: {  	s5 =	sadd.s32 s2, s25;
	s28 =	sshrl.u32 s11, $0x3;
	(pc) =	sbr.rel .LBB2_1-.Ltmp0, $4  }
0x10: {  	s11 =	smax.u32 s12, $0x1;
	s14 =	sshrl.u32 s29, $0x3;
	s30 =	sshrl.u32 s15, $0x3  }
0x11: {  	s31 =	sshrl.u32 s16, $0x3;
	s16 =	simm.s32 $0x80;
	s7 =	sadd.s32 $0x38000, s5  }
0x12: {  	s8 =	sadd.s32 $0x70000, s5;
	s9 =	sadd.s32 $0xA8000, s5;
	s12 =	sadd.s32 s28, s2  }
0x13: {  	s13 =	sadd.s32 s14, s2;
	s14 =	sadd.s32 s30, s2;
	s15 =	sadd.s32 s31, s2  }
.LBB2_13:
0x14: {  	_ =	swait.ge [sflag:s20], $0x1000  }
0x15: {  	[sflag:s20] =	ssyncset.done $0x0  }
0x16: {  	[sflag:s20] =	ssyncadd.s32 $0xFFFFF000  }
0x17: {  	_ =	swait.ge [sflag:s20], $0x1000  }
0x18: {  	[sflag:s20] =	ssyncset.done $0x0  }
0x19: {  	s21 =	sadd.s32 $0x1, s21;
	[sflag:s20] =	ssyncadd.s32 $0xFFFFF000  }
0x1a: {  	p1 =	sne.s32 s21, s11;
	_ =	swait.ge [sflag:s20], $0x1000  }
.Ltmp1:
0x1b: {  	[sflag:s20] =	ssyncset.done $0x0;
	(pc) =	sbr.rel @!p1 .LBB2_14-.Ltmp1, $4  }
0x1c: {  	[sflag:s20] =	ssyncadd.s32 $0xFFFFF000  }
0x1d: {  	_ =	swait.ge [sflag:s20], $0x1000  }
0x1e: {  	[sflag:s20] =	ssyncset.done $0x0  }
0x1f: {  	[sflag:s20] =	ssyncadd.s32 $0xFFFFF000  }
.LBB2_1:
.Ltmp2:
0x20: {  	(pc) =	sbr.rel @p0 .LBB2_7-.Ltmp2, $2  }
0x21: {  	_ =	sdelay $0x2  }
0x22: {  	s22 =	simm.s32 $0x0  }
0x23: {  	[tilespmem:s22], [sflag:$0x2] =	stream.strided.gather [hbm4b:s10+s16], $0x100, s17, s16, $0x38;
	[tilespmem:$0xE100] =	vst v63  }
0x24: {  	_ =	swait.ge [sflag:s18], $0x100  }
0x25: {  	[sflag:s18] =	ssyncset.done $0x0  }
0x26: {  	[sflag:s18] =	ssyncadd.s32 $0xFFFFFF00  }
0x27: {  	v0 =	vld [tilespmem:$0x0];
	_ =	sdelay $0x2  }
0x28: {  	s23 =	sand.u32 $0x800, s22;
	s24 =	sand.u32 $0x380, s22  }
0x29: {  	s23 =	sor.u32 s24, s23  }
0x2a: {  	[tilespmem:s23+$0x100] =	vst v0  }
0x2b: {  	v0 =	vld [tilespmem:$0x10];
	_ =	sdelay $0x4  }
0x2c: {  	[tilespmem:s23+$0x110] =	vst v0  }
0x2d: {  	v0 =	vld [tilespmem:$0x20];
	_ =	sdelay $0x4  }
0x2e: {  	[tilespmem:s23+$0x120] =	vst v0  }
0x2f: {  	v0 =	vld [tilespmem:$0x30];
	_ =	sdelay $0x4  }
0x30: {  	[tilespmem:s23+$0x130] =	vst v0  }
0x31: {  	v0 =	vld [tilespmem:$0x40];
	_ =	sdelay $0x4  }
0x32: {  	[tilespmem:s23+$0x140] =	vst v0  }
0x33: {  	v0 =	vld [tilespmem:$0x50];
	_ =	sdelay $0x4  }
0x34: {  	[tilespmem:s23+$0x150] =	vst v0  }
0x35: {  	v0 =	vld [tilespmem:$0x60];
	_ =	sdelay $0x4  }
0x36: {  	[tilespmem:s23+$0x160] =	vst v0  }
0x37: {  	v0 =	vld [tilespmem:$0x70];
	_ =	sdelay $0x4  }
0x38: {  	[tilespmem:s23+$0x170] =	vst v0  }
0x39: {  	v0 =	vld [tilespmem:$0x80];
	_ =	sdelay $0x4  }
0x3a: {  	[tilespmem:s23+$0x500] =	vst v0  }
0x3b: {  	v0 =	vld [tilespmem:$0x90];
	_ =	sdelay $0x4  }
0x3c: {  	[tilespmem:s23+$0x510] =	vst v0  }
0x3d: {  	v0 =	vld [tilespmem:$0xA0];
	_ =	sdelay $0x4  }
0x3e: {  	[tilespmem:s23+$0x520] =	vst v0  }
0x3f: {  	v0 =	vld [tilespmem:$0xB0];
	_ =	sdelay $0x4  }
0x40: {  	[tilespmem:s23+$0x530] =	vst v0  }
0x41: {  	v0 =	vld [tilespmem:$0xC0];
	_ =	sdelay $0x4  }
0x42: {  	[tilespmem:s23+$0x540] =	vst v0  }
0x43: {  	v0 =	vld [tilespmem:$0xD0];
	_ =	sdelay $0x4  }
0x44: {  	[tilespmem:s23+$0x550] =	vst v0  }
0x45: {  	s24 =	simm.s32 $0x200;
	s23 =	simm.s32 $0x100;
	v0 =	vld [tilespmem:$0x0]  }
.LBB2_3:
0x46: {  	p1 =	sne.s32 s24, $0xF00  }
0x47: {  	s22 =	sadd.s32 $0x80, s22  }
0x48: {  	s25 =	sand.u32 $0x800, s23;
	s23 =	smov.u32 s24;
	s26 =	sand.u32 $0x380, s22  }
0x49: {  	s25 =	sor.u32 s26, s25  }
0x4a: {  	[tilespmem:s25+$0x100] =	vst v0  }
0x4b: {  	v0 =	vld [tilespmem:$0x10];
	_ =	sdelay $0x4  }
0x4c: {  	[tilespmem:s25+$0x110] =	vst v0  }
0x4d: {  	v0 =	vld [tilespmem:$0x20];
	_ =	sdelay $0x4  }
0x4e: {  	[tilespmem:s25+$0x120] =	vst v0  }
0x4f: {  	v0 =	vld [tilespmem:$0x30];
	_ =	sdelay $0x4  }
0x50: {  	[tilespmem:s25+$0x130] =	vst v0  }
0x51: {  	v0 =	vld [tilespmem:$0x40];
	_ =	sdelay $0x4  }
0x52: {  	[tilespmem:s25+$0x140] =	vst v0  }
0x53: {  	v0 =	vld [tilespmem:$0x50];
	_ =	sdelay $0x4  }
0x54: {  	[tilespmem:s25+$0x150] =	vst v0  }
0x55: {  	v0 =	vld [tilespmem:$0x60];
	_ =	sdelay $0x4  }
0x56: {  	[tilespmem:s25+$0x160] =	vst v0  }
0x57: {  	v0 =	vld [tilespmem:$0x70];
	_ =	sdelay $0x4  }
0x58: {  	[tilespmem:s25+$0x170] =	vst v0  }
0x59: {  	v0 =	vld [tilespmem:$0x80];
	_ =	sdelay $0x4  }
0x5a: {  	[tilespmem:s25+$0x500] =	vst v0  }
0x5b: {  	v0 =	vld [tilespmem:$0x90];
	_ =	sdelay $0x4  }
0x5c: {  	[tilespmem:s25+$0x510] =	vst v0  }
0x5d: {  	v0 =	vld [tilespmem:$0xA0];
	_ =	sdelay $0x4  }
0x5e: {  	[tilespmem:s25+$0x520] =	vst v0  }
0x5f: {  	v0 =	vld [tilespmem:$0xB0];
	_ =	sdelay $0x4  }
0x60: {  	[tilespmem:s25+$0x530] =	vst v0  }
0x61: {  	v0 =	vld [tilespmem:$0xC0];
	_ =	sdelay $0x4  }
0x62: {  	[tilespmem:s25+$0x540] =	vst v0  }
0x63: {  	v0 =	vld [tilespmem:$0xD0];
	_ =	sdelay $0x1  }
.Ltmp3:
0x64: {  	(pc) =	sbr.rel @p1 .LBB2_3-.Ltmp3, $3  }
0x65: {  	_ =	sdelay $0x1  }
0x66: {  	[tilespmem:s25+$0x550] =	vst v0  }
0x67: {  	s24 =	sadd.s32 $0x100, s24;
	v0 =	vld [tilespmem:$0x0]  }
0x68: {  	_ = 	snop  }
0x69: {  	s22 =	sadd.s32 $0x80, s22  }
0x6a: {  	s23 =	sand.u32 $0x800, s23;
	s22 =	sand.u32 $0x380, s22  }
0x6b: {  	s22 =	sor.u32 s22, s23  }
0x6c: {  	[tilespmem:s22+$0x100] =	vst v0  }
0x6d: {  	v0 =	vld [tilespmem:$0x10];
	_ =	sdelay $0x4  }
0x6e: {  	[tilespmem:s22+$0x110] =	vst v0  }
0x6f: {  	v0 =	vld [tilespmem:$0x20];
	_ =	sdelay $0x4  }
0x70: {  	[tilespmem:s22+$0x120] =	vst v0  }
0x71: {  	v0 =	vld [tilespmem:$0x30];
	_ =	sdelay $0x4  }
0x72: {  	[tilespmem:s22+$0x130] =	vst v0  }
0x73: {  	v0 =	vld [tilespmem:$0x40];
	_ =	sdelay $0x4  }
0x74: {  	[tilespmem:s22+$0x140] =	vst v0  }
0x75: {  	v0 =	vld [tilespmem:$0x50];
	_ =	sdelay $0x4  }
0x76: {  	[tilespmem:s22+$0x150] =	vst v0  }
0x77: {  	v0 =	vld [tilespmem:$0x60];
	_ =	sdelay $0x4  }
0x78: {  	[tilespmem:s22+$0x160] =	vst v0  }
0x79: {  	v0 =	vld [tilespmem:$0x70];
	_ =	sdelay $0x4  }
0x7a: {  	[tilespmem:s22+$0x170] =	vst v0  }
0x7b: {  	v0 =	vld [tilespmem:$0x80];
	_ =	sdelay $0x4  }
0x7c: {  	[tilespmem:s22+$0x500] =	vst v0  }
0x7d: {  	v0 =	vld [tilespmem:$0x90];
	_ =	sdelay $0x4  }
0x7e: {  	[tilespmem:s22+$0x510] =	vst v0  }
0x7f: {  	v0 =	vld [tilespmem:$0xA0];
	_ =	sdelay $0x4  }
0x80: {  	[tilespmem:s22+$0x520] =	vst v0  }
0x81: {  	v0 =	vld [tilespmem:$0xB0];
	_ =	sdelay $0x4  }
0x82: {  	[tilespmem:s22+$0x530] =	vst v0  }
0x83: {  	v0 =	vld [tilespmem:$0xC0];
	_ =	sdelay $0x4  }
0x84: {  	[tilespmem:s22+$0x540] =	vst v0  }
0x85: {  	v0 =	vld [tilespmem:$0xD0];
	_ =	sdelay $0x4  }
0x86: {  	s26 =	simm.s32 $0x0;
	[tilespmem:s22+$0x550] =	vst v0  }
0x87: {  	[hbm4b:s5+s26] =	stream.linear.scatter [tilespmem:s19], [sflag:$0x1], $0x1000, $0x38;
	[tilespmem:$0xE100] =	vst v63  }
0x88: {  	_ = 	snop  }
0x89: {  	[hbm4b:s7+s26] =	stream.linear.scatter [tilespmem:s19], [sflag:$0x1], $0x1000, $0x38;
	[tilespmem:$0xE100] =	vst v63  }
0x8a: {  	_ = 	snop  }
0x8b: {  	[hbm4b:s8+s26] =	stream.linear.scatter [tilespmem:s19], [sflag:$0x1], $0x1000, $0x38;
	[tilespmem:$0xE100] =	vst v63  }
0x8c: {  	_ = 	snop  }
0x8d: {  	[hbm4b:s9+s26] =	stream.linear.scatter [tilespmem:s19], [sflag:$0x1], $0x1000, $0x38;
	[tilespmem:$0xE100] =	vst v63  }
0x8e: {  	s28 =	sadd.s32 $0x0, s12  }
0x8f: {  	[hbm4b:s28+s3] =	stream.linear.scatter [tilespmem:s19], [sflag:$0x1], $0x1000, $0x38;
	[tilespmem:$0xE100] =	vst v63  }
0x90: {  	s29 =	sadd.s32 $0x0, s13  }
0x91: {  	[hbm4b:s29+s3] =	stream.linear.scatter [tilespmem:s19], [sflag:$0x1], $0x1000, $0x38;
	[tilespmem:$0xE100] =	vst v63  }
0x92: {  	s30 =	sadd.s32 $0x0, s14  }
0x93: {  	[hbm4b:s30+s3] =	stream.linear.scatter [tilespmem:s19], [sflag:$0x1], $0x1000, $0x38;
	[tilespmem:$0xE100] =	vst v63  }
0x94: {  	s31 =	sadd.s32 $0x0, s15  }
0x95: {  	[hbm4b:s31+s3] =	stream.linear.scatter [tilespmem:s19], [sflag:$0x1], $0x1000, $0x38;
	[tilespmem:$0xE100] =	vst v63  }
0x96: {  	_ =	swait.ge [sflag:s20], $0x1000  }
0x97: {  	[sflag:s20] =	ssyncset.done $0x0  }
0x98: {  	[sflag:s20] =	ssyncadd.s32 $0xFFFFF000  }
0x99: {  	_ =	swait.ge [sflag:s20], $0x1000  }
0x9a: {  	[sflag:s20] =	ssyncset.done $0x0  }
0x9b: {  	[sflag:s20] =	ssyncadd.s32 $0xFFFFF000  }
0x9c: {  	_ =	swait.ge [sflag:s20], $0x1000  }
0x9d: {  	[sflag:s20] =	ssyncset.done $0x0  }
0x9e: {  	[sflag:s20] =	ssyncadd.s32 $0xFFFFF000  }
0x9f: {  	_ =	swait.ge [sflag:s20], $0x1000  }
0xa0: {  	s23 =	simm.s32 $0x400;
	s22 =	simm.s32 $0x200;
	[sflag:s20] =	ssyncset.done $0x0  }
.LBB2_5:
0xa1: {  	s24 =	sadd.s32 s22, s12  }
0xa2: {  	[sflag:s20] =	ssyncadd.s32 $0xFFFFF000;
	s25 =	smov.u32 s23;
	s26 =	sadd.s32 $0x200, s23  }
0xa3: {  	[hbm4b:s24+s3] =	stream.linear.scatter [tilespmem:s19], [sflag:$0x1], $0x1000, $0x38;
	[tilespmem:$0xE100] =	vst v63  }
0xa4: {  	p1 =	seq.s32 s23, $0x1800;
	s23 =	sadd.s32 s22, s13  }
0xa5: {  	[hbm4b:s23+s3] =	stream.linear.scatter [tilespmem:s19], [sflag:$0x1], $0x1000, $0x38;
	[tilespmem:$0xE100] =	vst v63  }
0xa6: {  	s23 =	sadd.s32 s22, s14  }
0xa7: {  	[hbm4b:s23+s3] =	stream.linear.scatter [tilespmem:s19], [sflag:$0x1], $0x1000, $0x38;
	[tilespmem:$0xE100] =	vst v63  }
0xa8: {  	s23 =	sadd.s32 s22, s15;
	s22 =	smov.u32 s25  }
0xa9: {  	[hbm4b:s23+s3] =	stream.linear.scatter [tilespmem:s19], [sflag:$0x1], $0x1000, $0x38;
	[tilespmem:$0xE100] =	vst v63  }
0xaa: {  	_ =	swait.ge [sflag:s20], $0x1000  }
0xab: {  	[sflag:s20] =	ssyncset.done $0x0  }
0xac: {  	[sflag:s20] =	ssyncadd.s32 $0xFFFFF000  }
0xad: {  	_ =	swait.ge [sflag:s20], $0x1000  }
0xae: {  	[sflag:s20] =	ssyncset.done $0x0  }
0xaf: {  	[sflag:s20] =	ssyncadd.s32 $0xFFFFF000  }
.Ltmp4:
0xb0: {  	_ =	swait.ge [sflag:s20], $0x1000;
	(pc) =	sbr.rel @!p1 .LBB2_5-.Ltmp4, $4  }
0xb1: {  	[sflag:s20] =	ssyncset.done $0x0  }
0xb2: {  	[sflag:s20] =	ssyncadd.s32 $0xFFFFF000  }
0xb3: {  	_ =	swait.ge [sflag:s20], $0x1000  }
0xb4: {  	s23 =	smov.u32 s26;
	[sflag:s20] =	ssyncset.done $0x0  }
0xb5: {  	s23 =	sadd.s32 s22, s12;
	[sflag:s20] =	ssyncadd.s32 $0xFFFFF000  }
0xb6: {  	[hbm4b:s23+s3] =	stream.linear.scatter [tilespmem:s19], [sflag:$0x1], $0x1000, $0x38;
	[tilespmem:$0xE100] =	vst v63  }
0xb7: {  	s29 =	sadd.s32 s22, s13  }
0xb8: {  	[hbm4b:s29+s3] =	stream.linear.scatter [tilespmem:s19], [sflag:$0x1], $0x1000, $0x38;
	[tilespmem:$0xE100] =	vst v63  }
0xb9: {  	s30 =	sadd.s32 s22, s14  }
0xba: {  	[hbm4b:s30+s3] =	stream.linear.scatter [tilespmem:s19], [sflag:$0x1], $0x1000, $0x38;
	[tilespmem:$0xE100] =	vst v63  }
0xbb: {  	s31 =	sadd.s32 s22, s15  }
0xbc: {  	[hbm4b:s31+s3] =	stream.linear.scatter [tilespmem:s19], [sflag:$0x1], $0x1000, $0x38;
	[tilespmem:$0xE100] =	vst v63  }
0xbd: {  	_ =	swait.ge [sflag:s20], $0x1000  }
0xbe: {  	[sflag:s20] =	ssyncset.done $0x0  }
0xbf: {  	[sflag:s20] =	ssyncadd.s32 $0xFFFFF000  }
0xc0: {  	_ =	swait.ge [sflag:s20], $0x1000  }
0xc1: {  	[sflag:s20] =	ssyncset.done $0x0  }
0xc2: {  	[sflag:s20] =	ssyncadd.s32 $0xFFFFF000  }
0xc3: {  	_ =	swait.ge [sflag:s20], $0x1000  }
.Ltmp5:
0xc4: {  	[sflag:s20] =	ssyncset.done $0x0;
	(pc) =	sbr.rel .LBB2_13-.Ltmp5, $4  }
0xc5: {  	[sflag:s20] =	ssyncadd.s32 $0xFFFFF000  }
0xc6: {  	_ =	swait.ge [sflag:s20], $0x1000  }
0xc7: {  	[sflag:s20] =	ssyncset.done $0x0  }
0xc8: {  	[sflag:s20] =	ssyncadd.s32 $0xFFFFF000  }
.LBB2_7:
0xc9: {  	[tilespmem:s22], [sflag:$0x2] =	stream.strided.gather [hbm4b:s6+s16], $0x100, s17, s16, $0x38;
	[tilespmem:$0xE100] =	vst v63  }
0xca: {  	_ =	swait.ge [sflag:s18], $0x100  }
0xcb: {  	[sflag:s18] =	ssyncset.done $0x0  }
0xcc: {  	[sflag:s18] =	ssyncadd.s32 $0xFFFFFF00  }
0xcd: {  	v15 =	vld [tilespmem:$0x0];
	_ =	sdelay $0x4  }
0xce: {  	s23 =	sand.u32 $0x70, s22;
	s24 =	sand.u32 $0x400, s22;
	v0 =	vbroadcast v15, $0x0;
	v1 =	vbroadcast v15, $0x1  }
0xcf: {  	s23 =	sor.u32 s23, s24;
	v2 =	vbroadcast v15, $0x2;
	v3 =	vbroadcast v15, $0x3  }
0xd0: {  	v4 =	vbroadcast v15, $0x4;
	v6 =	vbroadcast v15, $0x5;
	[tilespmem:s23+$0x180] =	vst v1  }
0xd1: {  	v11 =	vbroadcast v15, $0x6;
	v5 =	vbroadcast v15, $0x7;
	[tilespmem:s23+$0x200] =	vst v2  }
0xd2: {  	v7 =	vbroadcast v15, $0x8;
	v8 =	vbroadcast v15, $0x9;
	[tilespmem:s23+$0x280] =	vst v3  }
0xd3: {  	v9 =	vbroadcast v15, $0xA;
	v10 =	vbroadcast v15, $0xB;
	[tilespmem:s23+$0x300] =	vst v4  }
0xd4: {  	v12 =	vbroadcast v15, $0xC;
	v13 =	vbroadcast v15, $0xD;
	[tilespmem:s23+$0x380] =	vst v6  }
0xd5: {  	s25 =	sor.u32 s22, s22;
	s24 =	simm.s32 $0x10;
	v14 =	vbroadcast v15, $0xE;
	v15 =	vbroadcast v15, $0xF;
	[tilespmem:s23+$0x400] =	vst v11  }
.LBB2_8:
0xd6: {  	p1 =	sne.s32 s24, $0xD0;
	[tilespmem:s23+$0x100] =	vst v0;
	s25 =	sor.u32 $0x380, s25  }
0xd7: {  	[tilespmem:s25+$0x100] =	vst v5  }
0xd8: {  	[tilespmem:s23+$0x900] =	vst v7  }
0xd9: {  	[tilespmem:s23+$0x980] =	vst v8  }
0xda: {  	[tilespmem:s23+$0xA00] =	vst v9  }
0xdb: {  	[tilespmem:s23+$0xA80] =	vst v10  }
0xdc: {  	[tilespmem:s23+$0xB00] =	vst v12  }
0xdd: {  	s22 =	sadd.s32 $0x80, s22;
	[tilespmem:s23+$0xB80] =	vst v13  }
0xde: {  	s25 =	sand.u32 $0x70, s24;
	s26 =	sand.u32 $0x400, s22;
	[tilespmem:s23+$0xC00] =	vst v14  }
0xdf: {  	[tilespmem:s23+$0xC80] =	vst v15;
	s23 =	sor.u32 s25, s26  }
0xe0: {  	[tilespmem:s23+$0x180] =	vst v1  }
.Ltmp6:
0xe1: {  	[tilespmem:s23+$0x200] =	vst v2;
	(pc) =	sbr.rel @p1 .LBB2_8-.Ltmp6, $4  }
0xe2: {  	[tilespmem:s23+$0x280] =	vst v3  }
0xe3: {  	[tilespmem:s23+$0x300] =	vst v4  }
0xe4: {  	[tilespmem:s23+$0x380] =	vst v6  }
0xe5: {  	s25 =	sor.u32 s22, s24;
	s24 =	sadd.s32 $0x10, s24;
	[tilespmem:s23+$0x400] =	vst v11  }
0xe6: {  	[tilespmem:s23+$0x100] =	vst v0;
	s22 =	sor.u32 $0x380, s25  }
0xe7: {  	[tilespmem:s22+$0x100] =	vst v5  }
0xe8: {  	[tilespmem:s23+$0x900] =	vst v7  }
0xe9: {  	[tilespmem:s23+$0x980] =	vst v8  }
0xea: {  	[tilespmem:s23+$0xA00] =	vst v9  }
0xeb: {  	[tilespmem:s23+$0xA80] =	vst v10  }
0xec: {  	[tilespmem:s23+$0xB00] =	vst v12  }
0xed: {  	[tilespmem:s23+$0xB80] =	vst v13  }
0xee: {  	[tilespmem:s23+$0xC00] =	vst v14  }
0xef: {  	[tilespmem:s23+$0xC80] =	vst v15  }
0xf0: {  	[hbm4b:s5+s3] =	stream.linear.scatter [tilespmem:s19], [sflag:$0x1], $0x1000, $0x38;
	[tilespmem:$0xE100] =	vst v63  }
0xf1: {  	_ = 	snop  }
0xf2: {  	[hbm4b:s7+s3] =	stream.linear.scatter [tilespmem:s19], [sflag:$0x1], $0x1000, $0x38;
	[tilespmem:$0xE100] =	vst v63  }
0xf3: {  	_ = 	snop  }
0xf4: {  	[hbm4b:s8+s3] =	stream.linear.scatter [tilespmem:s19], [sflag:$0x1], $0x1000, $0x38;
	[tilespmem:$0xE100] =	vst v63  }
0xf5: {  	s22 =	simm.s32 $0x1  }
0xf6: {  	[hbm4b:s9+s3] =	stream.linear.scatter [tilespmem:s19], [sflag:$0x1], $0x1000, $0x38;
	[tilespmem:$0xE100] =	vst v63  }
.LBB2_10:
0xf7: {  	s23 =	sshll.u32 s22, $0x4  }
0xf8: {  	s23 =	sand.u32 $0x3FFFFFF0, s23  }
0xf9: {  	v13 =	vld [tilespmem:s23+$0x0];
	_ =	sdelay $0x1  }
0xfa: {  	s23 =	sshll.u32 s22, $0xC  }
0xfb: {  	s25 =	simm.s32 $0x0;
	s30 =	sand.u32 $0x3FFFF000, s23  }
0xfc: {  	s28 =	sand.u32 $0x400, s25;
	s26 =	sor.u32 $0x100, s30  }
0xfd: {  	s29 =	sand.u32 $0x70, s25;
	s24 =	sadd.s32 s28, s26;
	v0 =	vbroadcast v13, $0x0;
	v1 =	vbroadcast v13, $0x1  }
0xfe: {  	s24 =	sadd.s32 s29, s24;
	v2 =	vbroadcast v13, $0x2;
	v3 =	vbroadcast v13, $0x3  }
0xff: {  	v4 =	vbroadcast v13, $0x4;
	v7 =	vbroadcast v13, $0x5;
	[tilespmem:s24+$0x80] =	vst v1  }
0x100: {  	v14 =	vbroadcast v13, $0x6;
	v10 =	vbroadcast v13, $0x7;
	[tilespmem:s24+$0x100] =	vst v2  }
0x101: {  	v5 =	vbroadcast v13, $0x8;
	v6 =	vbroadcast v13, $0x9;
	[tilespmem:s24+$0x180] =	vst v3  }
0x102: {  	v8 =	vbroadcast v13, $0xA;
	v9 =	vbroadcast v13, $0xB;
	[tilespmem:s24+$0x200] =	vst v4  }
0x103: {  	v11 =	vbroadcast v13, $0xC;
	v12 =	vbroadcast v13, $0xD;
	[tilespmem:s24+$0x280] =	vst v7  }
0x104: {  	s31 =	simm.s32 $0x10;
	s30 =	sor.u32 $0x900, s30;
	v15 =	vbroadcast v13, $0xE;
	v13 =	vbroadcast v13, $0xF;
	[tilespmem:s24+$0x300] =	vst v14  }
.LBB2_11:
0x105: {  	p1 =	sne.s32 s31, $0xD0;
	[tilespmem:s24+$0x380] =	vst v10;
	s28 =	sadd.s32 s28, s30  }
0x106: {  	[tilespmem:s24+$0x0] =	vst v0;
	s28 =	sadd.s32 s29, s28  }
0x107: {  	[tilespmem:s28+$0x0] =	vst v5  }
0x108: {  	[tilespmem:s24+$0x880] =	vst v6  }
0x109: {  	[tilespmem:s24+$0x900] =	vst v8  }
0x10a: {  	[tilespmem:s24+$0x980] =	vst v9  }
0x10b: {  	s25 =	sadd.s32 $0x80, s25;
	[tilespmem:s24+$0xA00] =	vst v11  }
0x10c: {  	s28 =	sand.u32 $0x400, s25;
	[tilespmem:s24+$0xA80] =	vst v12  }
0x10d: {  	s29 =	sand.u32 $0x70, s31;
	s0 =	sadd.s32 s28, s26;
	[tilespmem:s24+$0xB00] =	vst v15  }
0x10e: {  	[tilespmem:s24+$0xB80] =	vst v13;
	s24 =	sadd.s32 s29, s0  }
0x10f: {  	[tilespmem:s24+$0x80] =	vst v1  }
.Ltmp7:
0x110: {  	[tilespmem:s24+$0x100] =	vst v2;
	(pc) =	sbr.rel @p1 .LBB2_11-.Ltmp7, $4  }
0x111: {  	[tilespmem:s24+$0x180] =	vst v3  }
0x112: {  	[tilespmem:s24+$0x200] =	vst v4  }
0x113: {  	[tilespmem:s24+$0x280] =	vst v7  }
0x114: {  	s31 =	sadd.s32 $0x10, s31;
	[tilespmem:s24+$0x300] =	vst v14  }
0x115: {  	[tilespmem:s24+$0x380] =	vst v10;
	s0 =	sadd.s32 s28, s30  }
0x116: {  	[tilespmem:s24+$0x0] =	vst v0;
	s0 =	sadd.s32 s29, s0  }
0x117: {  	[tilespmem:s0+$0x0] =	vst v5  }
0x118: {  	[tilespmem:s24+$0x880] =	vst v6  }
0x119: {  	[tilespmem:s24+$0x900] =	vst v8  }
0x11a: {  	[tilespmem:s24+$0x980] =	vst v9  }
0x11b: {  	[tilespmem:s24+$0xA00] =	vst v11  }
0x11c: {  	s28 =	sadd.s32 s4, s23;
	[tilespmem:s24+$0xA80] =	vst v12  }
0x11d: {  	s0 =	sshrl.u32 s28, $0x3;
	[tilespmem:s24+$0xB00] =	vst v15  }
0x11e: {  	s29 =	sor.u32 $0x100, s23;
	[tilespmem:s24+$0xB80] =	vst v13;
	s0 =	sadd.s32 s2, s0  }
0x11f: {  	[hbm4b:s0+s3] =	stream.linear.scatter [tilespmem:s29], [sflag:$0x1], $0x1000, $0x38;
	[tilespmem:$0xE100] =	vst v63  }
0x120: {  	s30 =	sadd.s32 $0x38000, s0  }
0x121: {  	[hbm4b:s30+s3] =	stream.linear.scatter [tilespmem:s29], [sflag:$0x1], $0x1000, $0x38;
	[tilespmem:$0xE100] =	vst v63  }
0x122: {  	s31 =	sadd.s32 $0x70000, s0  }
0x123: {  	[hbm4b:s31+s3] =	stream.linear.scatter [tilespmem:s29], [sflag:$0x1], $0x1000, $0x38;
	[tilespmem:$0xE100] =	vst v63  }
0x124: {  	s0 =	sadd.s32 $0xA8000, s0  }
0x125: {  	[hbm4b:s0+s3] =	stream.linear.scatter [tilespmem:s29], [sflag:$0x1], $0x1000, $0x38;
	[tilespmem:$0xE100] =	vst v63  }
0x126: {  	_ =	swait.ge [sflag:s20], $0x1000  }
0x127: {  	[sflag:s20] =	ssyncset.done $0x0  }
0x128: {  	[sflag:s20] =	ssyncadd.s32 $0xFFFFF000  }
0x129: {  	_ =	swait.ge [sflag:s20], $0x1000  }
0x12a: {  	[sflag:s20] =	ssyncset.done $0x0  }
0x12b: {  	s22 =	sadd.s32 $0x1, s22;
	[sflag:s20] =	ssyncadd.s32 $0xFFFFF000  }
0x12c: {  	p1 =	sne.s32 s22, $0xE;
	_ =	swait.ge [sflag:s20], $0x1000  }
.Ltmp8:
0x12d: {  	[sflag:s20] =	ssyncset.done $0x0;
	(pc) =	sbr.rel @p1 .LBB2_10-.Ltmp8, $4  }
.Ltmp9:
0x12e: {  	[sflag:s20] =	ssyncadd.s32 $0xFFFFF000;
	(pc) =	sbr.rel @!p1 .LBB2_13-.Ltmp9, $4  }
0x12f: {  	_ =	swait.ge [sflag:s20], $0x1000  }
0x130: {  	[sflag:s20] =	ssyncset.done $0x0  }
0x131: {  	[sflag:s20] =	ssyncadd.s32 $0xFFFFF000  }
0x132: {  	_ = 	snop  }
.LBB2_14:
0x133: {  	_ =	sfence.sel $0x180000  }
0x134: {  	[bflag:$0x0] =	sbarrier.arrive $0xFFFF  }
0x135: {  	_ =	strace $0x90000047  }
0x136: {  	[bflag:$0x2] =	sbarrier.arrive $0xFFFF  }
0x137: {  	p0 =	sne.s32 s1, $0x0;
	s0 =	rddreg [dreg:$0x3]  }
0x138: {  	s0 =	sadd.s32 @!p0 $0x100000, s0  }
0x139: {  	[sflag:s0] =	ssyncadd.tile.s32 @!p0 $0x1;
	_ =	shalt  }
.Lfunc_end2:
_tile_overlayer_lowered:
.L_overlay_start_2:
0x13a: {  	(tag) =	ssettag $0x2  }
0x13b: {  	s0 =	rddreg [dreg:$0x0];
	s2 =	stileid.u32  }
0x13c: {  	s1 =	rddreg [dreg:$0x1];
	p0 =	sne.s32 s2, $0x0  }
0x13d: {  	s3 =	rddreg [dreg:$0x2];
	[bflag:$0x3] =	sbarrier.arrive $0xFFFF;
	s2 =	simm.s32 @!p0 $0x1C02  }
0x13e: {  	[timem:s3], [sflag:s2] =	dma.local @!p0 [hbm:s0], s1  }
0x13f: {  	s0 =	simm.s32 @!p0 $0x2  }
0x140: {  	_ =	swait.ge @!p0 [sflag:s0], s1  }
0x141: {  	s1 =	ssub.s32 @!p0 $0x0, s1;
	[sflag:s0] =	ssyncset.done @!p0 $0x0  }
0x142: {  	[sflag:s0] =	ssyncadd.s32 @!p0 s1  }
0x143: {  	[bflag:$0x3] =	sbarrier.arrive $0xFFFF  }
0x144: {  	_ =	shalt  }

</sc_bundles>
